<compile_context>
chip_gen: v7x
topology: tpu7x:2x2x1
jax: 0.10.2.dev20260603
libtpu: 0.0.44.dev20260713+nightly
codegen_flags: <defaults>
</compile_context>

<pallas_src>
import functools

import jax
import jax.numpy as jnp
from jax import lax
from jax.experimental import pallas as pl
from jax.experimental.pallas import tpu as pltpu
from jax.experimental.pallas import tpu_sc as plsc

NUM_ENTITY = 100000
NUM_RELATION = 1000
DIM = 128
B = 32
TWO_B = 2 * B
K_N = 32
K_P = 32
K_E = 16
LAMBDAS = (0.3, 0.3, 0.4)

CHUNK = 10000
NCHUNK = NUM_ENTITY // CHUNK
LANES = 16
NVEC = DIM // LANES

NC = 2
NS = 16
NW = NC * NS
SUBJ_PER_W = TWO_B // NW


def _accum_mean(rows_ref, n, scale, out_v):
    def body(j, accs):
        return tuple(accs[c] + rows_ref[j, pl.ds(c * LANES, LANES)]
                     for c in range(NVEC))

    init = tuple(rows_ref[0, pl.ds(c * LANES, LANES)] for c in range(NVEC))
    accs = lax.fori_loop(1, n, body, init)
    for c in range(NVEC):
        out_v[pl.ds(c * LANES, LANES)] = accs[c] * scale


def _sc_gather_body(nb_hbm, pa_hbm, ed_hbm, subj_hbm, ent_hbm, rel_hbm,
                    out_hbm, idx_v, idxe_v, rows_v, rows16_v, out_v,
                    sidx_v, srows_v, sem):
    wid = lax.axis_index("s") * NC + lax.axis_index("c")

    for k in range(SUBJ_PER_W):
        s = wid * SUBJ_PER_W + k
        pltpu.sync_copy(nb_hbm.at[s], idx_v)
        pltpu.async_copy(ent_hbm.at[idx_v], rows_v, sem).wait()
        _accum_mean(rows_v, K_N, 1.0 / K_N, out_v)
        pltpu.sync_copy(out_v, out_hbm.at[s])
        pltpu.sync_copy(pa_hbm.at[s], idx_v)
        pltpu.async_copy(ent_hbm.at[idx_v], rows_v, sem).wait()
        _accum_mean(rows_v, K_P, 1.0 / K_P, out_v)
        pltpu.sync_copy(out_v, out_hbm.at[TWO_B + s])
        pltpu.sync_copy(ed_hbm.at[s], idxe_v)
        pltpu.async_copy(rel_hbm.at[idxe_v], rows16_v, sem).wait()
        _accum_mean(rows16_v, K_E, 1.0 / K_E, out_v)
        pltpu.sync_copy(out_v, out_hbm.at[2 * TWO_B + s])

    @pl.when(wid < TWO_B // 8)
    def _():
        pltpu.sync_copy(subj_hbm.at[pl.ds(wid * 8, 8)], sidx_v)
        pltpu.async_copy(ent_hbm.at[sidx_v], srows_v, sem).wait()
        pltpu.sync_copy(srows_v, out_hbm.at[pl.ds(3 * TWO_B + wid * 8, 8)])


@jax.jit
def _sc_gather(nb, pa, ed, subj, ent_emb, rel_emb):
    mesh = plsc.VectorSubcoreMesh(core_axis_name="c", subcore_axis_name="s")
    return pl.kernel(
        _sc_gather_body,
        out_type=jax.ShapeDtypeStruct((4 * TWO_B, DIM), jnp.float32),
        mesh=mesh,
        scratch_types=[
            pltpu.VMEM((K_N,), jnp.int32),
            pltpu.VMEM((K_E,), jnp.int32),
            pltpu.VMEM((K_N, DIM), jnp.float32),
            pltpu.VMEM((K_E, DIM), jnp.float32),
            pltpu.VMEM((DIM,), jnp.float32),
            pltpu.VMEM((8,), jnp.int32),
            pltpu.VMEM((8, DIM), jnp.float32),
            pltpu.SemaphoreType.DMA,
        ],
    )(nb, pa, ed, subj, ent_emb, rel_emb)


def _tc_loss_body(ctx_ref, ent_ref, out_ref, s_ref):
    i = pl.program_id(0)
    ctx_all = ctx_ref[...]
    ctx = ctx_all[0:3 * TWO_B, :]
    e = ent_ref[...]
    logits = lax.dot_general(ctx, e, (((1,), (1,)), ((), ())),
                             preferred_element_type=jnp.float32)
    part = jnp.sum(jnp.exp(logits), axis=1, keepdims=True)

    @pl.when(i == 0)
    def _init():
        s_ref[...] = part

    @pl.when(i > 0)
    def _acc():
        s_ref[...] = s_ref[...] + part

    @pl.when(i == NCHUNK - 1)
    def _fin():
        subj = ctx_all[3 * TWO_B:4 * TWO_B, :]
        subj3 = jnp.concatenate([subj, subj, subj], axis=0)
        dots = jnp.sum(ctx * subj3, axis=1, keepdims=True)
        lse = jnp.log(s_ref[...])
        nll = lse - dots
        row = lax.broadcasted_iota(jnp.int32, (3 * TWO_B, 1), 0)
        w = jnp.where(row < 2 * TWO_B, LAMBDAS[0], LAMBDAS[2])
        out_ref[...] = jnp.sum(nll * w).reshape(1, 1)


@jax.jit
def _tc_loss(ctx_all, ent_emb):
    out = pl.pallas_call(
        _tc_loss_body,
        grid=(NCHUNK,),
        in_specs=[
            pl.BlockSpec((4 * TWO_B, DIM), lambda i: (0, 0)),
            pl.BlockSpec((CHUNK, DIM), lambda i: (i, 0)),
        ],
        out_specs=pl.BlockSpec((1, 1), lambda i: (0, 0)),
        out_shape=jax.ShapeDtypeStruct((1, 1), jnp.float32),
        scratch_shapes=[
            pltpu.VMEM((3 * TWO_B, 1), jnp.float32),
        ],
    )(ctx_all, ent_emb)
    return out.reshape(1)


def kernel(htrs, neighbor_ids, path_ids, edge_ids, ent_emb, rel_emb):
    subjects = jnp.stack([htrs[:, 0], htrs[:, 2]], axis=1).reshape(-1)
    subjects = subjects.astype(jnp.int32)
    ctx_all = _sc_gather(neighbor_ids.astype(jnp.int32),
                         path_ids.astype(jnp.int32),
                         edge_ids.astype(jnp.int32),
                         subjects, ent_emb, rel_emb)
    return _tc_loss(ctx_all, ent_emb)

# --- scband reference (transcript-rebuilt; emitter-appended) ---
"""Pipeline reference for scband-gakegraph-encoder-16106127360028 (READ-ONLY COPY).

The authoritative reference and input builder live on the scoring server;
editing this copy changes nothing except your own understanding.
"""

import jax, jax.numpy as jnp
import numpy as np

NUM_ENTITY = 100000
NUM_RELATION = 1000
DIM = 128
B = 32
K_N = 32
K_P = 32
K_E = 16
LAMBDAS = (0.3, 0.3, 0.4)


def setup_inputs(seed: int = 0) -> dict:
    key = jax.random.key(seed)
    k1, k2, k3, k4, k5, k6 = jax.random.split(key, 6)
    htrs = jax.random.randint(k1, (B, 3), 0, NUM_RELATION)
    neighbor_ids = jax.random.randint(k2, (2 * B, K_N), 0, NUM_ENTITY)
    path_ids = jax.random.randint(k3, (2 * B, K_P), 0, NUM_ENTITY)
    edge_ids = jax.random.randint(k4, (2 * B, K_E), 0, NUM_RELATION)
    ent_emb = jax.random.normal(k5, (NUM_ENTITY, DIM), dtype=jnp.float32) * 0.02
    rel_emb = jax.random.normal(k6, (NUM_RELATION, DIM), dtype=jnp.float32) * 0.02
    return {
        'htrs': htrs,
        'neighbor_ids': neighbor_ids,
        'path_ids': path_ids,
        'edge_ids': edge_ids,
        'ent_emb': ent_emb,
        'rel_emb': rel_emb,
    }


def _context_nll(subjects, ctx, ent_emb):
    # GAKE: p(s | c) = softmax over all entities of <e_s, mean(context embeddings)>
    logits = ctx @ ent_emb.T  # [2B, NUM_ENTITY]
    logp = jax.nn.log_softmax(logits, axis=-1)
    return -jnp.take_along_axis(logp, subjects[:, None], axis=1)[:, 0]


def reference(htrs, neighbor_ids, path_ids, edge_ids, ent_emb, rel_emb):
    # subjects in loop order h0, t0, h1, t1, ... matching the torch double loop
    subjects = jnp.stack([htrs[:, 0], htrs[:, 2]], axis=1).reshape(-1)  # [2B]
    c_nb = jnp.take(ent_emb, neighbor_ids, axis=0).mean(axis=1)  # neighbor context
    c_pa = jnp.take(ent_emb, path_ids, axis=0).mean(axis=1)      # path context
    c_ed = jnp.take(rel_emb, edge_ids, axis=0).mean(axis=1)      # edge context
    l_nb = _context_nll(subjects, c_nb, ent_emb)
    l_pa = _context_nll(subjects, c_pa, ent_emb)
    l_ed = _context_nll(subjects, c_ed, ent_emb)
    per_subject = LAMBDAS[0] * l_nb + LAMBDAS[1] * l_pa + LAMBDAS[2] * l_ed
    loss = jnp.sum(per_subject).reshape(1)  # accumulated like torch.zeros(1) += _loss
    return loss

if __name__ == "__main__":
    import jax
    _d = setup_inputs()
    print(jax.jit(kernel)(*tuple(_d.values())))

</pallas_src>

<mosaic_0001>
#map = affine_map<(d0, d1) -> (0, 0)>
#map1 = affine_map<(d0, d1) -> (0)>
module attributes {stable_mosaic.version = 14 : i64} {
  func.func @_sc_gather_body(%arg0: i32, %arg1: i32, %arg2: memref<64x32xi32, #tpu.memory_space<hbm>>, %arg3: memref<64x32xi32, #tpu.memory_space<hbm>>, %arg4: memref<64x16xi32, #tpu.memory_space<hbm>>, %arg5: memref<64xi32, #tpu.memory_space<hbm>>, %arg6: memref<100000x128xf32, #tpu.memory_space<hbm>>, %arg7: memref<1000x128xf32, #tpu.memory_space<hbm>>, %arg8: memref<256x128xf32, #tpu.memory_space<hbm>>, %arg9: memref<32xi32, #tpu.memory_space<vmem>>, %arg10: memref<16xi32, #tpu.memory_space<vmem>>, %arg11: memref<32x128xf32, #tpu.memory_space<vmem>>, %arg12: memref<16x128xf32, #tpu.memory_space<vmem>>, %arg13: memref<128xf32, #tpu.memory_space<vmem>>, %arg14: memref<8xi32, #tpu.memory_space<vmem>>, %arg15: memref<8x128xf32, #tpu.memory_space<vmem>>, %arg16: memref<!tpu.dma_semaphore, #tpu.memory_space<semaphore_mem>>) attributes {dimension_semantics = [#tpu.dimension_semantics<core_parallel>, #tpu.dimension_semantics<subcore_parallel>], iteration_bounds = array<i64: 2, 16>, scalar_prefetch = 0 : i64, scratch_operands = 8 : i64, tpu.core_type = #tpu.core_type<sc_vector_subcore>, window_params = [{transform_indices = #map}, {transform_indices = #map}, {transform_indices = #map}, {transform_indices = #map1}, {transform_indices = #map}, {transform_indices = #map}, {transform_indices = #map}]} {
    %mul3A = arith.constant 2 : i32
    %mul3A_0 = arith.muli %arg1, %mul3A : i32
    %add3A = arith.addi %mul3A_0, %arg0 : i32
    %mul3A_1 = arith.constant 2 : i32
    %mul3A_2 = arith.muli %add3A, %mul3A_1 : i32
    %add3A_3 = arith.constant 0 : i32
    %add3A_4 = arith.addi %mul3A_2, %add3A_3 : i32
    "tpu.region"() ({
      %run_scoped3A = tpu.sem_alloc : memref<!tpu.dma_semaphore, #tpu.memory_space<semaphore_mem>>
      %dma_start3A_662 = arith.constant 0 : i32
      %dma_start3A_663 = tpu.memref_slice %arg2[%add3A_4, %dma_start3A_662] : memref<64x32xi32, #tpu.memory_space<hbm>> -> memref<1x32xi32, #tpu.memory_space<hbm>>
      %dma_start3A_664 = tpu.memref_squeeze %dma_start3A_663 : memref<1x32xi32, #tpu.memory_space<hbm>> -> memref<32xi32, #tpu.memory_space<hbm>>
      %dma_start3A_665 = arith.constant 0 : i32
      %dma_start3A_666 = tpu.memref_slice %arg2[%add3A_4, %dma_start3A_665] : memref<64x32xi32, #tpu.memory_space<hbm>> -> memref<1x32xi32, #tpu.memory_space<hbm>>
      %dma_start3A_667 = tpu.memref_squeeze %dma_start3A_666 : memref<1x32xi32, #tpu.memory_space<hbm>> -> memref<32xi32, #tpu.memory_space<hbm>>
      tpu.enqueue_dma source(%dma_start3A_667 : memref<32xi32, #tpu.memory_space<hbm>>) target(%arg9 : memref<32xi32, #tpu.memory_space<vmem>>) target_semaphore(%run_scoped3A : memref<!tpu.dma_semaphore, #tpu.memory_space<semaphore_mem>>)
      %dma_wait3A_668 = arith.constant 0 : i32
      %dma_wait3A_669 = tpu.memref_slice %arg2[%add3A_4, %dma_wait3A_668] : memref<64x32xi32, #tpu.memory_space<hbm>> -> memref<1x32xi32, #tpu.memory_space<hbm>>
      %dma_wait3A_670 = tpu.memref_squeeze %dma_wait3A_669 : memref<1x32xi32, #tpu.memory_space<hbm>> -> memref<32xi32, #tpu.memory_space<hbm>>
      %dma_wait3A_671 = arith.constant 0 : i32
      %dma_wait3A_672 = tpu.memref_slice %arg2[%add3A_4, %dma_wait3A_671] : memref<64x32xi32, #tpu.memory_space<hbm>> -> memref<1x32xi32, #tpu.memory_space<hbm>>
      %dma_wait3A_673 = tpu.memref_squeeze %dma_wait3A_672 : memref<1x32xi32, #tpu.memory_space<hbm>> -> memref<32xi32, #tpu.memory_space<hbm>>
      tpu.wait_dma2 semaphore(%run_scoped3A : memref<!tpu.dma_semaphore, #tpu.memory_space<semaphore_mem>>) src(%dma_wait3A_673 : memref<32xi32, #tpu.memory_space<hbm>>) dst(%arg9 : memref<32xi32, #tpu.memory_space<vmem>>)
      tpu.yield
    }) : () -> ()
    %dma_start3A = arith.constant 0 : i32
    %dma_start3A_5 = arith.constant 0 : i32
    %dma_start3A_6 = tpu.memref_slice %arg6[%dma_start3A, %dma_start3A_5] : memref<100000x128xf32, #tpu.memory_space<hbm>> -> memref<100000x128xf32, #tpu.memory_space<hbm>>
    tpu.enqueue_indirect_dma source(%dma_start3A_6 : memref<100000x128xf32, #tpu.memory_space<hbm>>) target(%arg11 : memref<32x128xf32, #tpu.memory_space<vmem>>) offsets(%arg9 : memref<32xi32, #tpu.memory_space<vmem>>) semaphore(%arg16 : memref<!tpu.dma_semaphore, #tpu.memory_space<semaphore_mem>>)
    %dma_wait3A = arith.constant 0 : i32
    %dma_wait3A_7 = arith.constant 0 : i32
    %dma_wait3A_8 = tpu.memref_slice %arg6[%dma_wait3A, %dma_wait3A_7] : memref<100000x128xf32, #tpu.memory_space<hbm>> -> memref<100000x128xf32, #tpu.memory_space<hbm>>
    tpu.wait_indirect_dma semaphore(%arg16 : memref<!tpu.dma_semaphore, #tpu.memory_space<semaphore_mem>>) src(%dma_wait3A_8 : memref<100000x128xf32, #tpu.memory_space<hbm>>) dst(%arg11 : memref<32x128xf32, #tpu.memory_space<vmem>>)
    %get3A = arith.constant 0 : i32
    %get3A_9 = arith.index_cast %get3A : i32 to index
    %get3A_10 = arith.constant 0 : index
    %get3A_11 = tpu.vector_load %arg11[%get3A_9, %get3A_10] {strides = array<i32>} : memref<32x128xf32, #tpu.memory_space<vmem>>, vector<1x16xf32>,
    %get3A_12 = vector.shape_cast %get3A_11 : vector<1x16xf32> to vector<16xf32>
    %get3A_13 = arith.constant 0 : i32
    %get3A_14 = arith.index_cast %get3A_13 : i32 to index
    %get3A_15 = arith.constant 16 : index
    %get3A_16 = tpu.vector_load %arg11[%get3A_14, %get3A_15] {strides = array<i32>} : memref<32x128xf32, #tpu.memory_space<vmem>>, vector<1x16xf32>,
    %get3A_17 = vector.shape_cast %get3A_16 : vector<1x16xf32> to vector<16xf32>
    %get3A_18 = arith.constant 0 : i32
    %get3A_19 = arith.index_cast %get3A_18 : i32 to index
    %get3A_20 = arith.constant 32 : index
    %get3A_21 = tpu.vector_load %arg11[%get3A_19, %get3A_20] {strides = array<i32>} : memref<32x128xf32, #tpu.memory_space<vmem>>, vector<1x16xf32>,
    %get3A_22 = vector.shape_cast %get3A_21 : vector<1x16xf32> to vector<16xf32>
    %get3A_23 = arith.constant 0 : i32
    %get3A_24 = arith.index_cast %get3A_23 : i32 to index
    %get3A_25 = arith.constant 48 : index
    %get3A_26 = tpu.vector_load %arg11[%get3A_24, %get3A_25] {strides = array<i32>} : memref<32x128xf32, #tpu.memory_space<vmem>>, vector<1x16xf32>,
    %get3A_27 = vector.shape_cast %get3A_26 : vector<1x16xf32> to vector<16xf32>
    %get3A_28 = arith.constant 0 : i32
    %get3A_29 = arith.index_cast %get3A_28 : i32 to index
    %get3A_30 = arith.constant 64 : index
    %get3A_31 = tpu.vector_load %arg11[%get3A_29, %get3A_30] {strides = array<i32>} : memref<32x128xf32, #tpu.memory_space<vmem>>, vector<1x16xf32>,
    %get3A_32 = vector.shape_cast %get3A_31 : vector<1x16xf32> to vector<16xf32>
    %get3A_33 = arith.constant 0 : i32
    %get3A_34 = arith.index_cast %get3A_33 : i32 to index
    %get3A_35 = arith.constant 80 : index
    %get3A_36 = tpu.vector_load %arg11[%get3A_34, %get3A_35] {strides = array<i32>} : memref<32x128xf32, #tpu.memory_space<vmem>>, vector<1x16xf32>,
    %get3A_37 = vector.shape_cast %get3A_36 : vector<1x16xf32> to vector<16xf32>
    %get3A_38 = arith.constant 0 : i32
    %get3A_39 = arith.index_cast %get3A_38 : i32 to index
    %get3A_40 = arith.constant 96 : index
    %get3A_41 = tpu.vector_load %arg11[%get3A_39, %get3A_40] {strides = array<i32>} : memref<32x128xf32, #tpu.memory_space<vmem>>, vector<1x16xf32>,
    %get3A_42 = vector.shape_cast %get3A_41 : vector<1x16xf32> to vector<16xf32>
    %get3A_43 = arith.constant 0 : i32
    %get3A_44 = arith.index_cast %get3A_43 : i32 to index
    %get3A_45 = arith.constant 112 : index
    %get3A_46 = tpu.vector_load %arg11[%get3A_44, %get3A_45] {strides = array<i32>} : memref<32x128xf32, #tpu.memory_space<vmem>>, vector<1x16xf32>,
    %get3A_47 = vector.shape_cast %get3A_46 : vector<1x16xf32> to vector<16xf32>
    %scan3A = arith.constant 1 : i32
    %scan3A_48 = arith.constant 31 : i32
    %scan3A_49 = arith.addi %scan3A, %scan3A_48 : i32
    %scan3A_50 = arith.constant 1 : i32
    %scan3A_51:8 = scf.for %scan3A_662 = %scan3A to %scan3A_49 step %scan3A_50 iter_args(%scan3A_663 = %get3A_12, %scan3A_664 = %get3A_17, %scan3A_665 = %get3A_22, %scan3A_666 = %get3A_27, %scan3A_667 = %get3A_32, %scan3A_668 = %get3A_37, %scan3A_669 = %get3A_42, %scan3A_670 = %get3A_47) -> (vector<16xf32>, vector<16xf32>, vector<16xf32>, vector<16xf32>, vector<16xf32>, vector<16xf32>, vector<16xf32>, vector<16xf32>)  : i32 {
      %get3A_671 = arith.index_cast %scan3A_662 : i32 to index
      %get3A_672 = arith.constant 0 : index
      %get3A_673 = tpu.vector_load %arg11[%get3A_671, %get3A_672] {strides = array<i32>} : memref<32x128xf32, #tpu.memory_space<vmem>>, vector<1x16xf32>,
      %get3A_674 = vector.shape_cast %get3A_673 : vector<1x16xf32> to vector<16xf32>
      %add3A_675 = arith.addf %scan3A_663, %get3A_674 : vector<16xf32>
      %get3A_676 = arith.index_cast %scan3A_662 : i32 to index
      %get3A_677 = arith.constant 16 : index
      %get3A_678 = tpu.vector_load %arg11[%get3A_676, %get3A_677] {strides = array<i32>} : memref<32x128xf32, #tpu.memory_space<vmem>>, vector<1x16xf32>,
      %get3A_679 = vector.shape_cast %get3A_678 : vector<1x16xf32> to vector<16xf32>
      %add3A_680 = arith.addf %scan3A_664, %get3A_679 : vector<16xf32>
      %get3A_681 = arith.index_cast %scan3A_662 : i32 to index
      %get3A_682 = arith.constant 32 : index
      %get3A_683 = tpu.vector_load %arg11[%get3A_681, %get3A_682] {strides = array<i32>} : memref<32x128xf32, #tpu.memory_space<vmem>>, vector<1x16xf32>,
      %get3A_684 = vector.shape_cast %get3A_683 : vector<1x16xf32> to vector<16xf32>
      %add3A_685 = arith.addf %scan3A_665, %get3A_684 : vector<16xf32>
      %get3A_686 = arith.index_cast %scan3A_662 : i32 to index
      %get3A_687 = arith.constant 48 : index
      %get3A_688 = tpu.vector_load %arg11[%get3A_686, %get3A_687] {strides = array<i32>} : memref<32x128xf32, #tpu.memory_space<vmem>>, vector<1x16xf32>,
      %get3A_689 = vector.shape_cast %get3A_688 : vector<1x16xf32> to vector<16xf32>
      %add3A_690 = arith.addf %scan3A_666, %get3A_689 : vector<16xf32>
      %get3A_691 = arith.index_cast %scan3A_662 : i32 to index
      %get3A_692 = arith.constant 64 : index
      %get3A_693 = tpu.vector_load %arg11[%get3A_691, %get3A_692] {strides = array<i32>} : memref<32x128xf32, #tpu.memory_space<vmem>>, vector<1x16xf32>,
      %get3A_694 = vector.shape_cast %get3A_693 : vector<1x16xf32> to vector<16xf32>
      %add3A_695 = arith.addf %scan3A_667, %get3A_694 : vector<16xf32>
      %get3A_696 = arith.index_cast %scan3A_662 : i32 to index
      %get3A_697 = arith.constant 80 : index
      %get3A_698 = tpu.vector_load %arg11[%get3A_696, %get3A_697] {strides = array<i32>} : memref<32x128xf32, #tpu.memory_space<vmem>>, vector<1x16xf32>,
      %get3A_699 = vector.shape_cast %get3A_698 : vector<1x16xf32> to vector<16xf32>
      %add3A_700 = arith.addf %scan3A_668, %get3A_699 : vector<16xf32>
      %get3A_701 = arith.index_cast %scan3A_662 : i32 to index
      %get3A_702 = arith.constant 96 : index
      %get3A_703 = tpu.vector_load %arg11[%get3A_701, %get3A_702] {strides = array<i32>} : memref<32x128xf32, #tpu.memory_space<vmem>>, vector<1x16xf32>,
      %get3A_704 = vector.shape_cast %get3A_703 : vector<1x16xf32> to vector<16xf32>
      %add3A_705 = arith.addf %scan3A_669, %get3A_704 : vector<16xf32>
      %get3A_706 = arith.index_cast %scan3A_662 : i32 to index
      %get3A_707 = arith.constant 112 : index
      %get3A_708 = tpu.vector_load %arg11[%get3A_706, %get3A_707] {strides = array<i32>} : memref<32x128xf32, #tpu.memory_space<vmem>>, vector<1x16xf32>,
      %get3A_709 = vector.shape_cast %get3A_708 : vector<1x16xf32> to vector<16xf32>
      %add3A_710 = arith.addf %scan3A_670, %get3A_709 : vector<16xf32>
      scf.yield %add3A_675, %add3A_680, %add3A_685, %add3A_690, %add3A_695, %add3A_700, %add3A_705, %add3A_710 : vector<16xf32>, vector<16xf32>, vector<16xf32>, vector<16xf32>, vector<16xf32>, vector<16xf32>, vector<16xf32>, vector<16xf32>
    }
    %scan3A_52 = arith.constant 31 : i32
    %mul3A_53 = arith.constant 3.125000e-02 : f32
    %mul3A_54 = vector.broadcast %mul3A_53 : f32 to vector<16xf32>
    %mul3A_55 = arith.mulf %scan3A_51#0, %mul3A_54 : vector<16xf32>
    %swap3A = arith.constant 0 : index
    %swap3A_56 = tpu.vector_load %arg13[%swap3A] {strides = array<i32>} : memref<128xf32, #tpu.memory_space<vmem>>, vector<16xf32>,
    %swap3A_57 = vector.shape_cast %swap3A_56 : vector<16xf32> to vector<16xf32>
    %swap3A_58 = vector.shape_cast %mul3A_55 : vector<16xf32> to vector<16xf32>
    tpu.vector_store %arg13[%swap3A], %swap3A_58 {strides = array<i32>} : memref<128xf32, #tpu.memory_space<vmem>>, vector<16xf32>,
    %mul3A_59 = arith.constant 3.125000e-02 : f32
    %mul3A_60 = vector.broadcast %mul3A_59 : f32 to vector<16xf32>
    %mul3A_61 = arith.mulf %scan3A_51#1, %mul3A_60 : vector<16xf32>
    %swap3A_62 = arith.constant 16 : index
    %swap3A_63 = tpu.vector_load %arg13[%swap3A_62] {strides = array<i32>} : memref<128xf32, #tpu.memory_space<vmem>>, vector<16xf32>,
    %swap3A_64 = vector.shape_cast %swap3A_63 : vector<16xf32> to vector<16xf32>
    %swap3A_65 = vector.shape_cast %mul3A_61 : vector<16xf32> to vector<16xf32>
    tpu.vector_store %arg13[%swap3A_62], %swap3A_65 {strides = array<i32>} : memref<128xf32, #tpu.memory_space<vmem>>, vector<16xf32>,
    %mul3A_66 = arith.constant 3.125000e-02 : f32
    %mul3A_67 = vector.broadcast %mul3A_66 : f32 to vector<16xf32>
    %mul3A_68 = arith.mulf %scan3A_51#2, %mul3A_67 : vector<16xf32>
    %swap3A_69 = arith.constant 32 : index
    %swap3A_70 = tpu.vector_load %arg13[%swap3A_69] {strides = array<i32>} : memref<128xf32, #tpu.memory_space<vmem>>, vector<16xf32>,
    %swap3A_71 = vector.shape_cast %swap3A_70 : vector<16xf32> to vector<16xf32>
    %swap3A_72 = vector.shape_cast %mul3A_68 : vector<16xf32> to vector<16xf32>
    tpu.vector_store %arg13[%swap3A_69], %swap3A_72 {strides = array<i32>} : memref<128xf32, #tpu.memory_space<vmem>>, vector<16xf32>,
    %mul3A_73 = arith.constant 3.125000e-02 : f32
    %mul3A_74 = vector.broadcast %mul3A_73 : f32 to vector<16xf32>
    %mul3A_75 = arith.mulf %scan3A_51#3, %mul3A_74 : vector<16xf32>
    %swap3A_76 = arith.constant 48 : index
    %swap3A_77 = tpu.vector_load %arg13[%swap3A_76] {strides = array<i32>} : memref<128xf32, #tpu.memory_space<vmem>>, vector<16xf32>,
    %swap3A_78 = vector.shape_cast %swap3A_77 : vector<16xf32> to vector<16xf32>
    %swap3A_79 = vector.shape_cast %mul3A_75 : vector<16xf32> to vector<16xf32>
    tpu.vector_store %arg13[%swap3A_76], %swap3A_79 {strides = array<i32>} : memref<128xf32, #tpu.memory_space<vmem>>, vector<16xf32>,
    %mul3A_80 = arith.constant 3.125000e-02 : f32
    %mul3A_81 = vector.broadcast %mul3A_80 : f32 to vector<16xf32>
    %mul3A_82 = arith.mulf %scan3A_51#4, %mul3A_81 : vector<16xf32>
    %swap3A_83 = arith.constant 64 : index
    %swap3A_84 = tpu.vector_load %arg13[%swap3A_83] {strides = array<i32>} : memref<128xf32, #tpu.memory_space<vmem>>, vector<16xf32>,
    %swap3A_85 = vector.shape_cast %swap3A_84 : vector<16xf32> to vector<16xf32>
    %swap3A_86 = vector.shape_cast %mul3A_82 : vector<16xf32> to vector<16xf32>
    tpu.vector_store %arg13[%swap3A_83], %swap3A_86 {strides = array<i32>} : memref<128xf32, #tpu.memory_space<vmem>>, vector<16xf32>,
    %mul3A_87 = arith.constant 3.125000e-02 : f32
    %mul3A_88 = vector.broadcast %mul3A_87 : f32 to vector<16xf32>
    %mul3A_89 = arith.mulf %scan3A_51#5, %mul3A_88 : vector<16xf32>
    %swap3A_90 = arith.constant 80 : index
    %swap3A_91 = tpu.vector_load %arg13[%swap3A_90] {strides = array<i32>} : memref<128xf32, #tpu.memory_space<vmem>>, vector<16xf32>,
    %swap3A_92 = vector.shape_cast %swap3A_91 : vector<16xf32> to vector<16xf32>
    %swap3A_93 = vector.shape_cast %mul3A_89 : vector<16xf32> to vector<16xf32>
    tpu.vector_store %arg13[%swap3A_90], %swap3A_93 {strides = array<i32>} : memref<128xf32, #tpu.memory_space<vmem>>, vector<16xf32>,
    %mul3A_94 = arith.constant 3.125000e-02 : f32
    %mul3A_95 = vector.broadcast %mul3A_94 : f32 to vector<16xf32>
    %mul3A_96 = arith.mulf %scan3A_51#6, %mul3A_95 : vector<16xf32>
    %swap3A_97 = arith.constant 96 : index
    %swap3A_98 = tpu.vector_load %arg13[%swap3A_97] {strides = array<i32>} : memref<128xf32, #tpu.memory_space<vmem>>, vector<16xf32>,
    %swap3A_99 = vector.shape_cast %swap3A_98 : vector<16xf32> to vector<16xf32>
    %swap3A_100 = vector.shape_cast %mul3A_96 : vector<16xf32> to vector<16xf32>
    tpu.vector_store %arg13[%swap3A_97], %swap3A_100 {strides = array<i32>} : memref<128xf32, #tpu.memory_space<vmem>>, vector<16xf32>,
    %mul3A_101 = arith.constant 3.125000e-02 : f32
    %mul3A_102 = vector.broadcast %mul3A_101 : f32 to vector<16xf32>
    %mul3A_103 = arith.mulf %scan3A_51#7, %mul3A_102 : vector<16xf32>
    %swap3A_104 = arith.constant 112 : index
    %swap3A_105 = tpu.vector_load %arg13[%swap3A_104] {strides = array<i32>} : memref<128xf32, #tpu.memory_space<vmem>>, vector<16xf32>,
    %swap3A_106 = vector.shape_cast %swap3A_105 : vector<16xf32> to vector<16xf32>
    %swap3A_107 = vector.shape_cast %mul3A_103 : vector<16xf32> to vector<16xf32>
    tpu.vector_store %arg13[%swap3A_104], %swap3A_107 {strides = array<i32>} : memref<128xf32, #tpu.memory_space<vmem>>, vector<16xf32>,
    "tpu.region"() ({
      %run_scoped3A = tpu.sem_alloc : memref<!tpu.dma_semaphore, #tpu.memory_space<semaphore_mem>>
      %dma_start3A_662 = arith.constant 0 : i32
      %dma_start3A_663 = tpu.memref_slice %arg8[%add3A_4, %dma_start3A_662] : memref<256x128xf32, #tpu.memory_space<hbm>> -> memref<1x128xf32, #tpu.memory_space<hbm>>
      %dma_start3A_664 = tpu.memref_squeeze %dma_start3A_663 : memref<1x128xf32, #tpu.memory_space<hbm>> -> memref<128xf32, #tpu.memory_space<hbm>>
      %dma_start3A_665 = arith.constant 0 : i32
      %dma_start3A_666 = tpu.memref_slice %arg8[%add3A_4, %dma_start3A_665] : memref<256x128xf32, #tpu.memory_space<hbm>> -> memref<1x128xf32, #tpu.memory_space<hbm>>
      %dma_start3A_667 = tpu.memref_squeeze %dma_start3A_666 : memref<1x128xf32, #tpu.memory_space<hbm>> -> memref<128xf32, #tpu.memory_space<hbm>>
      tpu.enqueue_dma source(%arg13 : memref<128xf32, #tpu.memory_space<vmem>>) target(%dma_start3A_667 : memref<128xf32, #tpu.memory_space<hbm>>) target_semaphore(%run_scoped3A : memref<!tpu.dma_semaphore, #tpu.memory_space<semaphore_mem>>)
      %dma_wait3A_668 = arith.constant 0 : i32
      %dma_wait3A_669 = tpu.memref_slice %arg8[%add3A_4, %dma_wait3A_668] : memref<256x128xf32, #tpu.memory_space<hbm>> -> memref<1x128xf32, #tpu.memory_space<hbm>>
      %dma_wait3A_670 = tpu.memref_squeeze %dma_wait3A_669 : memref<1x128xf32, #tpu.memory_space<hbm>> -> memref<128xf32, #tpu.memory_space<hbm>>
      %dma_wait3A_671 = arith.constant 0 : i32
      %dma_wait3A_672 = tpu.memref_slice %arg8[%add3A_4, %dma_wait3A_671] : memref<256x128xf32, #tpu.memory_space<hbm>> -> memref<1x128xf32, #tpu.memory_space<hbm>>
      %dma_wait3A_673 = tpu.memref_squeeze %dma_wait3A_672 : memref<1x128xf32, #tpu.memory_space<hbm>> -> memref<128xf32, #tpu.memory_space<hbm>>
      tpu.wait_dma2 semaphore(%run_scoped3A : memref<!tpu.dma_semaphore, #tpu.memory_space<semaphore_mem>>) src(%arg13 : memref<128xf32, #tpu.memory_space<vmem>>) dst(%dma_wait3A_673 : memref<128xf32, #tpu.memory_space<hbm>>)
      tpu.yield
    }) : () -> ()
    "tpu.region"() ({
      %run_scoped3A = tpu.sem_alloc : memref<!tpu.dma_semaphore, #tpu.memory_space<semaphore_mem>>
      %dma_start3A_662 = arith.constant 0 : i32
      %dma_start3A_663 = tpu.memref_slice %arg3[%add3A_4, %dma_start3A_662] : memref<64x32xi32, #tpu.memory_space<hbm>> -> memref<1x32xi32, #tpu.memory_space<hbm>>
      %dma_start3A_664 = tpu.memref_squeeze %dma_start3A_663 : memref<1x32xi32, #tpu.memory_space<hbm>> -> memref<32xi32, #tpu.memory_space<hbm>>
      %dma_start3A_665 = arith.constant 0 : i32
      %dma_start3A_666 = tpu.memref_slice %arg3[%add3A_4, %dma_start3A_665] : memref<64x32xi32, #tpu.memory_space<hbm>> -> memref<1x32xi32, #tpu.memory_space<hbm>>
      %dma_start3A_667 = tpu.memref_squeeze %dma_start3A_666 : memref<1x32xi32, #tpu.memory_space<hbm>> -> memref<32xi32, #tpu.memory_space<hbm>>
      tpu.enqueue_dma source(%dma_start3A_667 : memref<32xi32, #tpu.memory_space<hbm>>) target(%arg9 : memref<32xi32, #tpu.memory_space<vmem>>) target_semaphore(%run_scoped3A : memref<!tpu.dma_semaphore, #tpu.memory_space<semaphore_mem>>)
      %dma_wait3A_668 = arith.constant 0 : i32
      %dma_wait3A_669 = tpu.memref_slice %arg3[%add3A_4, %dma_wait3A_668] : memref<64x32xi32, #tpu.memory_space<hbm>> -> memref<1x32xi32, #tpu.memory_space<hbm>>
      %dma_wait3A_670 = tpu.memref_squeeze %dma_wait3A_669 : memref<1x32xi32, #tpu.memory_space<hbm>> -> memref<32xi32, #tpu.memory_space<hbm>>
      %dma_wait3A_671 = arith.constant 0 : i32
      %dma_wait3A_672 = tpu.memref_slice %arg3[%add3A_4, %dma_wait3A_671] : memref<64x32xi32, #tpu.memory_space<hbm>> -> memref<1x32xi32, #tpu.memory_space<hbm>>
      %dma_wait3A_673 = tpu.memref_squeeze %dma_wait3A_672 : memref<1x32xi32, #tpu.memory_space<hbm>> -> memref<32xi32, #tpu.memory_space<hbm>>
      tpu.wait_dma2 semaphore(%run_scoped3A : memref<!tpu.dma_semaphore, #tpu.memory_space<semaphore_mem>>) src(%dma_wait3A_673 : memref<32xi32, #tpu.memory_space<hbm>>) dst(%arg9 : memref<32xi32, #tpu.memory_space<vmem>>)
      tpu.yield
    }) : () -> ()
    %dma_start3A_108 = arith.constant 0 : i32
    %dma_start3A_109 = arith.constant 0 : i32
    %dma_start3A_110 = tpu.memref_slice %arg6[%dma_start3A_108, %dma_start3A_109] : memref<100000x128xf32, #tpu.memory_space<hbm>> -> memref<100000x128xf32, #tpu.memory_space<hbm>>
    tpu.enqueue_indirect_dma source(%dma_start3A_110 : memref<100000x128xf32, #tpu.memory_space<hbm>>) target(%arg11 : memref<32x128xf32, #tpu.memory_space<vmem>>) offsets(%arg9 : memref<32xi32, #tpu.memory_space<vmem>>) semaphore(%arg16 : memref<!tpu.dma_semaphore, #tpu.memory_space<semaphore_mem>>)
    %dma_wait3A_111 = arith.constant 0 : i32
    %dma_wait3A_112 = arith.constant 0 : i32
    %dma_wait3A_113 = tpu.memref_slice %arg6[%dma_wait3A_111, %dma_wait3A_112] : memref<100000x128xf32, #tpu.memory_space<hbm>> -> memref<100000x128xf32, #tpu.memory_space<hbm>>
    tpu.wait_indirect_dma semaphore(%arg16 : memref<!tpu.dma_semaphore, #tpu.memory_space<semaphore_mem>>) src(%dma_wait3A_113 : memref<100000x128xf32, #tpu.memory_space<hbm>>) dst(%arg11 : memref<32x128xf32, #tpu.memory_space<vmem>>)
    %get3A_114 = arith.constant 0 : i32
    %get3A_115 = arith.index_cast %get3A_114 : i32 to index
    %get3A_116 = arith.constant 0 : index
    %get3A_117 = tpu.vector_load %arg11[%get3A_115, %get3A_116] {strides = array<i32>} : memref<32x128xf32, #tpu.memory_space<vmem>>, vector<1x16xf32>,
    %get3A_118 = vector.shape_cast %get3A_117 : vector<1x16xf32> to vector<16xf32>
    %get3A_119 = arith.constant 0 : i32
    %get3A_120 = arith.index_cast %get3A_119 : i32 to index
    %get3A_121 = arith.constant 16 : index
    %get3A_122 = tpu.vector_load %arg11[%get3A_120, %get3A_121] {strides = array<i32>} : memref<32x128xf32, #tpu.memory_space<vmem>>, vector<1x16xf32>,
    %get3A_123 = vector.shape_cast %get3A_122 : vector<1x16xf32> to vector<16xf32>
    %get3A_124 = arith.constant 0 : i32
    %get3A_125 = arith.index_cast %get3A_124 : i32 to index
    %get3A_126 = arith.constant 32 : index
    %get3A_127 = tpu.vector_load %arg11[%get3A_125, %get3A_126] {strides = array<i32>} : memref<32x128xf32, #tpu.memory_space<vmem>>, vector<1x16xf32>,
    %get3A_128 = vector.shape_cast %get3A_127 : vector<1x16xf32> to vector<16xf32>
    %get3A_129 = arith.constant 0 : i32
    %get3A_130 = arith.index_cast %get3A_129 : i32 to index
    %get3A_131 = arith.constant 48 : index
    %get3A_132 = tpu.vector_load %arg11[%get3A_130, %get3A_131] {strides = array<i32>} : memref<32x128xf32, #tpu.memory_space<vmem>>, vector<1x16xf32>,
    %get3A_133 = vector.shape_cast %get3A_132 : vector<1x16xf32> to vector<16xf32>
    %get3A_134 = arith.constant 0 : i32
    %get3A_135 = arith.index_cast %get3A_134 : i32 to index
    %get3A_136 = arith.constant 64 : index
    %get3A_137 = tpu.vector_load %arg11[%get3A_135, %get3A_136] {strides = array<i32>} : memref<32x128xf32, #tpu.memory_space<vmem>>, vector<1x16xf32>,
    %get3A_138 = vector.shape_cast %get3A_137 : vector<1x16xf32> to vector<16xf32>
    %get3A_139 = arith.constant 0 : i32
    %get3A_140 = arith.index_cast %get3A_139 : i32 to index
    %get3A_141 = arith.constant 80 : index
    %get3A_142 = tpu.vector_load %arg11[%get3A_140, %get3A_141] {strides = array<i32>} : memref<32x128xf32, #tpu.memory_space<vmem>>, vector<1x16xf32>,
    %get3A_143 = vector.shape_cast %get3A_142 : vector<1x16xf32> to vector<16xf32>
    %get3A_144 = arith.constant 0 : i32
    %get3A_145 = arith.index_cast %get3A_144 : i32 to index
    %get3A_146 = arith.constant 96 : index
    %get3A_147 = tpu.vector_load %arg11[%get3A_145, %get3A_146] {strides = array<i32>} : memref<32x128xf32, #tpu.memory_space<vmem>>, vector<1x16xf32>,
    %get3A_148 = vector.shape_cast %get3A_147 : vector<1x16xf32> to vector<16xf32>
    %get3A_149 = arith.constant 0 : i32
    %get3A_150 = arith.index_cast %get3A_149 : i32 to index
    %get3A_151 = arith.constant 112 : index
    %get3A_152 = tpu.vector_load %arg11[%get3A_150, %get3A_151] {strides = array<i32>} : memref<32x128xf32, #tpu.memory_space<vmem>>, vector<1x16xf32>,
    %get3A_153 = vector.shape_cast %get3A_152 : vector<1x16xf32> to vector<16xf32>
    %scan3A_154 = arith.constant 1 : i32
    %scan3A_155 = arith.constant 31 : i32
    %scan3A_156 = arith.addi %scan3A_154, %scan3A_155 : i32
    %scan3A_157 = arith.constant 1 : i32
    %scan3A_158:8 = scf.for %scan3A_662 = %scan3A_154 to %scan3A_156 step %scan3A_157 iter_args(%scan3A_663 = %get3A_118, %scan3A_664 = %get3A_123, %scan3A_665 = %get3A_128, %scan3A_666 = %get3A_133, %scan3A_667 = %get3A_138, %scan3A_668 = %get3A_143, %scan3A_669 = %get3A_148, %scan3A_670 = %get3A_153) -> (vector<16xf32>, vector<16xf32>, vector<16xf32>, vector<16xf32>, vector<16xf32>, vector<16xf32>, vector<16xf32>, vector<16xf32>)  : i32 {
      %get3A_671 = arith.index_cast %scan3A_662 : i32 to index
      %get3A_672 = arith.constant 0 : index
      %get3A_673 = tpu.vector_load %arg11[%get3A_671, %get3A_672] {strides = array<i32>} : memref<32x128xf32, #tpu.memory_space<vmem>>, vector<1x16xf32>,
      %get3A_674 = vector.shape_cast %get3A_673 : vector<1x16xf32> to vector<16xf32>
      %add3A_675 = arith.addf %scan3A_663, %get3A_674 : vector<16xf32>
      %get3A_676 = arith.index_cast %scan3A_662 : i32 to index
      %get3A_677 = arith.constant 16 : index
      %get3A_678 = tpu.vector_load %arg11[%get3A_676, %get3A_677] {strides = array<i32>} : memref<32x128xf32, #tpu.memory_space<vmem>>, vector<1x16xf32>,
      %get3A_679 = vector.shape_cast %get3A_678 : vector<1x16xf32> to vector<16xf32>
      %add3A_680 = arith.addf %scan3A_664, %get3A_679 : vector<16xf32>
      %get3A_681 = arith.index_cast %scan3A_662 : i32 to index
      %get3A_682 = arith.constant 32 : index
      %get3A_683 = tpu.vector_load %arg11[%get3A_681, %get3A_682] {strides = array<i32>} : memref<32x128xf32, #tpu.memory_space<vmem>>, vector<1x16xf32>,
      %get3A_684 = vector.shape_cast %get3A_683 : vector<1x16xf32> to vector<16xf32>
      %add3A_685 = arith.addf %scan3A_665, %get3A_684 : vector<16xf32>
      %get3A_686 = arith.index_cast %scan3A_662 : i32 to index
      %get3A_687 = arith.constant 48 : index
      %get3A_688 = tpu.vector_load %arg11[%get3A_686, %get3A_687] {strides = array<i32>} : memref<32x128xf32, #tpu.memory_space<vmem>>, vector<1x16xf32>,
      %get3A_689 = vector.shape_cast %get3A_688 : vector<1x16xf32> to vector<16xf32>
      %add3A_690 = arith.addf %scan3A_666, %get3A_689 : vector<16xf32>
      %get3A_691 = arith.index_cast %scan3A_662 : i32 to index
      %get3A_692 = arith.constant 64 : index
      %get3A_693 = tpu.vector_load %arg11[%get3A_691, %get3A_692] {strides = array<i32>} : memref<32x128xf32, #tpu.memory_space<vmem>>, vector<1x16xf32>,
      %get3A_694 = vector.shape_cast %get3A_693 : vector<1x16xf32> to vector<16xf32>
      %add3A_695 = arith.addf %scan3A_667, %get3A_694 : vector<16xf32>
      %get3A_696 = arith.index_cast %scan3A_662 : i32 to index
      %get3A_697 = arith.constant 80 : index
      %get3A_698 = tpu.vector_load %arg11[%get3A_696, %get3A_697] {strides = array<i32>} : memref<32x128xf32, #tpu.memory_space<vmem>>, vector<1x16xf32>,
      %get3A_699 = vector.shape_cast %get3A_698 : vector<1x16xf32> to vector<16xf32>
      %add3A_700 = arith.addf %scan3A_668, %get3A_699 : vector<16xf32>
      %get3A_701 = arith.index_cast %scan3A_662 : i32 to index
      %get3A_702 = arith.constant 96 : index
      %get3A_703 = tpu.vector_load %arg11[%get3A_701, %get3A_702] {strides = array<i32>} : memref<32x128xf32, #tpu.memory_space<vmem>>, vector<1x16xf32>,
      %get3A_704 = vector.shape_cast %get3A_703 : vector<1x16xf32> to vector<16xf32>
      %add3A_705 = arith.addf %scan3A_669, %get3A_704 : vector<16xf32>
      %get3A_706 = arith.index_cast %scan3A_662 : i32 to index
      %get3A_707 = arith.constant 112 : index
      %get3A_708 = tpu.vector_load %arg11[%get3A_706, %get3A_707] {strides = array<i32>} : memref<32x128xf32, #tpu.memory_space<vmem>>, vector<1x16xf32>,
      %get3A_709 = vector.shape_cast %get3A_708 : vector<1x16xf32> to vector<16xf32>
      %add3A_710 = arith.addf %scan3A_670, %get3A_709 : vector<16xf32>
      scf.yield %add3A_675, %add3A_680, %add3A_685, %add3A_690, %add3A_695, %add3A_700, %add3A_705, %add3A_710 : vector<16xf32>, vector<16xf32>, vector<16xf32>, vector<16xf32>, vector<16xf32>, vector<16xf32>, vector<16xf32>, vector<16xf32>
    }
    %scan3A_159 = arith.constant 31 : i32
    %mul3A_160 = arith.constant 3.125000e-02 : f32
    %mul3A_161 = vector.broadcast %mul3A_160 : f32 to vector<16xf32>
    %mul3A_162 = arith.mulf %scan3A_158#0, %mul3A_161 : vector<16xf32>
    %swap3A_163 = arith.constant 0 : index
    %swap3A_164 = tpu.vector_load %arg13[%swap3A_163] {strides = array<i32>} : memref<128xf32, #tpu.memory_space<vmem>>, vector<16xf32>,
    %swap3A_165 = vector.shape_cast %swap3A_164 : vector<16xf32> to vector<16xf32>
    %swap3A_166 = vector.shape_cast %mul3A_162 : vector<16xf32> to vector<16xf32>
    tpu.vector_store %arg13[%swap3A_163], %swap3A_166 {strides = array<i32>} : memref<128xf32, #tpu.memory_space<vmem>>, vector<16xf32>,
    %mul3A_167 = arith.constant 3.125000e-02 : f32
    %mul3A_168 = vector.broadcast %mul3A_167 : f32 to vector<16xf32>
    %mul3A_169 = arith.mulf %scan3A_158#1, %mul3A_168 : vector<16xf32>
    %swap3A_170 = arith.constant 16 : index
    %swap3A_171 = tpu.vector_load %arg13[%swap3A_170] {strides = array<i32>} : memref<128xf32, #tpu.memory_space<vmem>>, vector<16xf32>,
    %swap3A_172 = vector.shape_cast %swap3A_171 : vector<16xf32> to vector<16xf32>
    %swap3A_173 = vector.shape_cast %mul3A_169 : vector<16xf32> to vector<16xf32>
    tpu.vector_store %arg13[%swap3A_170], %swap3A_173 {strides = array<i32>} : memref<128xf32, #tpu.memory_space<vmem>>, vector<16xf32>,
    %mul3A_174 = arith.constant 3.125000e-02 : f32
    %mul3A_175 = vector.broadcast %mul3A_174 : f32 to vector<16xf32>
    %mul3A_176 = arith.mulf %scan3A_158#2, %mul3A_175 : vector<16xf32>
    %swap3A_177 = arith.constant 32 : index
    %swap3A_178 = tpu.vector_load %arg13[%swap3A_177] {strides = array<i32>} : memref<128xf32, #tpu.memory_space<vmem>>, vector<16xf32>,
    %swap3A_179 = vector.shape_cast %swap3A_178 : vector<16xf32> to vector<16xf32>
    %swap3A_180 = vector.shape_cast %mul3A_176 : vector<16xf32> to vector<16xf32>
    tpu.vector_store %arg13[%swap3A_177], %swap3A_180 {strides = array<i32>} : memref<128xf32, #tpu.memory_space<vmem>>, vector<16xf32>,
    %mul3A_181 = arith.constant 3.125000e-02 : f32
    %mul3A_182 = vector.broadcast %mul3A_181 : f32 to vector<16xf32>
    %mul3A_183 = arith.mulf %scan3A_158#3, %mul3A_182 : vector<16xf32>
    %swap3A_184 = arith.constant 48 : index
    %swap3A_185 = tpu.vector_load %arg13[%swap3A_184] {strides = array<i32>} : memref<128xf32, #tpu.memory_space<vmem>>, vector<16xf32>,
    %swap3A_186 = vector.shape_cast %swap3A_185 : vector<16xf32> to vector<16xf32>
    %swap3A_187 = vector.shape_cast %mul3A_183 : vector<16xf32> to vector<16xf32>
    tpu.vector_store %arg13[%swap3A_184], %swap3A_187 {strides = array<i32>} : memref<128xf32, #tpu.memory_space<vmem>>, vector<16xf32>,
    %mul3A_188 = arith.constant 3.125000e-02 : f32
    %mul3A_189 = vector.broadcast %mul3A_188 : f32 to vector<16xf32>
    %mul3A_190 = arith.mulf %scan3A_158#4, %mul3A_189 : vector<16xf32>
    %swap3A_191 = arith.constant 64 : index
    %swap3A_192 = tpu.vector_load %arg13[%swap3A_191] {strides = array<i32>} : memref<128xf32, #tpu.memory_space<vmem>>, vector<16xf32>,
    %swap3A_193 = vector.shape_cast %swap3A_192 : vector<16xf32> to vector<16xf32>
    %swap3A_194 = vector.shape_cast %mul3A_190 : vector<16xf32> to vector<16xf32>
    tpu.vector_store %arg13[%swap3A_191], %swap3A_194 {strides = array<i32>} : memref<128xf32, #tpu.memory_space<vmem>>, vector<16xf32>,
    %mul3A_195 = arith.constant 3.125000e-02 : f32
    %mul3A_196 = vector.broadcast %mul3A_195 : f32 to vector<16xf32>
    %mul3A_197 = arith.mulf %scan3A_158#5, %mul3A_196 : vector<16xf32>
    %swap3A_198 = arith.constant 80 : index
    %swap3A_199 = tpu.vector_load %arg13[%swap3A_198] {strides = array<i32>} : memref<128xf32, #tpu.memory_space<vmem>>, vector<16xf32>,
    %swap3A_200 = vector.shape_cast %swap3A_199 : vector<16xf32> to vector<16xf32>
    %swap3A_201 = vector.shape_cast %mul3A_197 : vector<16xf32> to vector<16xf32>
    tpu.vector_store %arg13[%swap3A_198], %swap3A_201 {strides = array<i32>} : memref<128xf32, #tpu.memory_space<vmem>>, vector<16xf32>,
    %mul3A_202 = arith.constant 3.125000e-02 : f32
    %mul3A_203 = vector.broadcast %mul3A_202 : f32 to vector<16xf32>
    %mul3A_204 = arith.mulf %scan3A_158#6, %mul3A_203 : vector<16xf32>
    %swap3A_205 = arith.constant 96 : index
    %swap3A_206 = tpu.vector_load %arg13[%swap3A_205] {strides = array<i32>} : memref<128xf32, #tpu.memory_space<vmem>>, vector<16xf32>,
    %swap3A_207 = vector.shape_cast %swap3A_206 : vector<16xf32> to vector<16xf32>
    %swap3A_208 = vector.shape_cast %mul3A_204 : vector<16xf32> to vector<16xf32>
    tpu.vector_store %arg13[%swap3A_205], %swap3A_208 {strides = array<i32>} : memref<128xf32, #tpu.memory_space<vmem>>, vector<16xf32>,
    %mul3A_209 = arith.constant 3.125000e-02 : f32
    %mul3A_210 = vector.broadcast %mul3A_209 : f32 to vector<16xf32>
    %mul3A_211 = arith.mulf %scan3A_158#7, %mul3A_210 : vector<16xf32>
    %swap3A_212 = arith.constant 112 : index
    %swap3A_213 = tpu.vector_load %arg13[%swap3A_212] {strides = array<i32>} : memref<128xf32, #tpu.memory_space<vmem>>, vector<16xf32>,
    %swap3A_214 = vector.shape_cast %swap3A_213 : vector<16xf32> to vector<16xf32>
    %swap3A_215 = vector.shape_cast %mul3A_211 : vector<16xf32> to vector<16xf32>
    tpu.vector_store %arg13[%swap3A_212], %swap3A_215 {strides = array<i32>} : memref<128xf32, #tpu.memory_space<vmem>>, vector<16xf32>,
    %add3A_216 = arith.constant 64 : i32
    %add3A_217 = arith.addi %add3A_216, %add3A_4 : i32
    "tpu.region"() ({
      %run_scoped3A = tpu.sem_alloc : memref<!tpu.dma_semaphore, #tpu.memory_space<semaphore_mem>>
      %dma_start3A_662 = arith.constant 0 : i32
      %dma_start3A_663 = tpu.memref_slice %arg8[%add3A_217, %dma_start3A_662] : memref<256x128xf32, #tpu.memory_space<hbm>> -> memref<1x128xf32, #tpu.memory_space<hbm>>
      %dma_start3A_664 = tpu.memref_squeeze %dma_start3A_663 : memref<1x128xf32, #tpu.memory_space<hbm>> -> memref<128xf32, #tpu.memory_space<hbm>>
      %dma_start3A_665 = arith.constant 0 : i32
      %dma_start3A_666 = tpu.memref_slice %arg8[%add3A_217, %dma_start3A_665] : memref<256x128xf32, #tpu.memory_space<hbm>> -> memref<1x128xf32, #tpu.memory_space<hbm>>
      %dma_start3A_667 = tpu.memref_squeeze %dma_start3A_666 : memref<1x128xf32, #tpu.memory_space<hbm>> -> memref<128xf32, #tpu.memory_space<hbm>>
      tpu.enqueue_dma source(%arg13 : memref<128xf32, #tpu.memory_space<vmem>>) target(%dma_start3A_667 : memref<128xf32, #tpu.memory_space<hbm>>) target_semaphore(%run_scoped3A : memref<!tpu.dma_semaphore, #tpu.memory_space<semaphore_mem>>)
      %dma_wait3A_668 = arith.constant 0 : i32
      %dma_wait3A_669 = tpu.memref_slice %arg8[%add3A_217, %dma_wait3A_668] : memref<256x128xf32, #tpu.memory_space<hbm>> -> memref<1x128xf32, #tpu.memory_space<hbm>>
      %dma_wait3A_670 = tpu.memref_squeeze %dma_wait3A_669 : memref<1x128xf32, #tpu.memory_space<hbm>> -> memref<128xf32, #tpu.memory_space<hbm>>
      %dma_wait3A_671 = arith.constant 0 : i32
      %dma_wait3A_672 = tpu.memref_slice %arg8[%add3A_217, %dma_wait3A_671] : memref<256x128xf32, #tpu.memory_space<hbm>> -> memref<1x128xf32, #tpu.memory_space<hbm>>
      %dma_wait3A_673 = tpu.memref_squeeze %dma_wait3A_672 : memref<1x128xf32, #tpu.memory_space<hbm>> -> memref<128xf32, #tpu.memory_space<hbm>>
      tpu.wait_dma2 semaphore(%run_scoped3A : memref<!tpu.dma_semaphore, #tpu.memory_space<semaphore_mem>>) src(%arg13 : memref<128xf32, #tpu.memory_space<vmem>>) dst(%dma_wait3A_673 : memref<128xf32, #tpu.memory_space<hbm>>)
      tpu.yield
    }) : () -> ()
    "tpu.region"() ({
      %run_scoped3A = tpu.sem_alloc : memref<!tpu.dma_semaphore, #tpu.memory_space<semaphore_mem>>
      %dma_start3A_662 = arith.constant 0 : i32
      %dma_start3A_663 = tpu.memref_slice %arg4[%add3A_4, %dma_start3A_662] : memref<64x16xi32, #tpu.memory_space<hbm>> -> memref<1x16xi32, #tpu.memory_space<hbm>>
      %dma_start3A_664 = tpu.memref_squeeze %dma_start3A_663 : memref<1x16xi32, #tpu.memory_space<hbm>> -> memref<16xi32, #tpu.memory_space<hbm>>
      %dma_start3A_665 = arith.constant 0 : i32
      %dma_start3A_666 = tpu.memref_slice %arg4[%add3A_4, %dma_start3A_665] : memref<64x16xi32, #tpu.memory_space<hbm>> -> memref<1x16xi32, #tpu.memory_space<hbm>>
      %dma_start3A_667 = tpu.memref_squeeze %dma_start3A_666 : memref<1x16xi32, #tpu.memory_space<hbm>> -> memref<16xi32, #tpu.memory_space<hbm>>
      tpu.enqueue_dma source(%dma_start3A_667 : memref<16xi32, #tpu.memory_space<hbm>>) target(%arg10 : memref<16xi32, #tpu.memory_space<vmem>>) target_semaphore(%run_scoped3A : memref<!tpu.dma_semaphore, #tpu.memory_space<semaphore_mem>>)
      %dma_wait3A_668 = arith.constant 0 : i32
      %dma_wait3A_669 = tpu.memref_slice %arg4[%add3A_4, %dma_wait3A_668] : memref<64x16xi32, #tpu.memory_space<hbm>> -> memref<1x16xi32, #tpu.memory_space<hbm>>
      %dma_wait3A_670 = tpu.memref_squeeze %dma_wait3A_669 : memref<1x16xi32, #tpu.memory_space<hbm>> -> memref<16xi32, #tpu.memory_space<hbm>>
      %dma_wait3A_671 = arith.constant 0 : i32
      %dma_wait3A_672 = tpu.memref_slice %arg4[%add3A_4, %dma_wait3A_671] : memref<64x16xi32, #tpu.memory_space<hbm>> -> memref<1x16xi32, #tpu.memory_space<hbm>>
      %dma_wait3A_673 = tpu.memref_squeeze %dma_wait3A_672 : memref<1x16xi32, #tpu.memory_space<hbm>> -> memref<16xi32, #tpu.memory_space<hbm>>
      tpu.wait_dma2 semaphore(%run_scoped3A : memref<!tpu.dma_semaphore, #tpu.memory_space<semaphore_mem>>) src(%dma_wait3A_673 : memref<16xi32, #tpu.memory_space<hbm>>) dst(%arg10 : memref<16xi32, #tpu.memory_space<vmem>>)
      tpu.yield
    }) : () -> ()
    %dma_start3A_218 = arith.constant 0 : i32
    %dma_start3A_219 = arith.constant 0 : i32
    %dma_start3A_220 = tpu.memref_slice %arg7[%dma_start3A_218, %dma_start3A_219] : memref<1000x128xf32, #tpu.memory_space<hbm>> -> memref<1000x128xf32, #tpu.memory_space<hbm>>
    tpu.enqueue_indirect_dma source(%dma_start3A_220 : memref<1000x128xf32, #tpu.memory_space<hbm>>) target(%arg12 : memref<16x128xf32, #tpu.memory_space<vmem>>) offsets(%arg10 : memref<16xi32, #tpu.memory_space<vmem>>) semaphore(%arg16 : memref<!tpu.dma_semaphore, #tpu.memory_space<semaphore_mem>>)
    %dma_wait3A_221 = arith.constant 0 : i32
    %dma_wait3A_222 = arith.constant 0 : i32
    %dma_wait3A_223 = tpu.memref_slice %arg7[%dma_wait3A_221, %dma_wait3A_222] : memref<1000x128xf32, #tpu.memory_space<hbm>> -> memref<1000x128xf32, #tpu.memory_space<hbm>>
    tpu.wait_indirect_dma semaphore(%arg16 : memref<!tpu.dma_semaphore, #tpu.memory_space<semaphore_mem>>) src(%dma_wait3A_223 : memref<1000x128xf32, #tpu.memory_space<hbm>>) dst(%arg12 : memref<16x128xf32, #tpu.memory_space<vmem>>)
    %get3A_224 = arith.constant 0 : i32
    %get3A_225 = arith.index_cast %get3A_224 : i32 to index
    %get3A_226 = arith.constant 0 : index
    %get3A_227 = tpu.vector_load %arg12[%get3A_225, %get3A_226] {strides = array<i32>} : memref<16x128xf32, #tpu.memory_space<vmem>>, vector<1x16xf32>,
    %get3A_228 = vector.shape_cast %get3A_227 : vector<1x16xf32> to vector<16xf32>
    %get3A_229 = arith.constant 0 : i32
    %get3A_230 = arith.index_cast %get3A_229 : i32 to index
    %get3A_231 = arith.constant 16 : index
    %get3A_232 = tpu.vector_load %arg12[%get3A_230, %get3A_231] {strides = array<i32>} : memref<16x128xf32, #tpu.memory_space<vmem>>, vector<1x16xf32>,
    %get3A_233 = vector.shape_cast %get3A_232 : vector<1x16xf32> to vector<16xf32>
    %get3A_234 = arith.constant 0 : i32
    %get3A_235 = arith.index_cast %get3A_234 : i32 to index
    %get3A_236 = arith.constant 32 : index
    %get3A_237 = tpu.vector_load %arg12[%get3A_235, %get3A_236] {strides = array<i32>} : memref<16x128xf32, #tpu.memory_space<vmem>>, vector<1x16xf32>,
    %get3A_238 = vector.shape_cast %get3A_237 : vector<1x16xf32> to vector<16xf32>
    %get3A_239 = arith.constant 0 : i32
    %get3A_240 = arith.index_cast %get3A_239 : i32 to index
    %get3A_241 = arith.constant 48 : index
    %get3A_242 = tpu.vector_load %arg12[%get3A_240, %get3A_241] {strides = array<i32>} : memref<16x128xf32, #tpu.memory_space<vmem>>, vector<1x16xf32>,
    %get3A_243 = vector.shape_cast %get3A_242 : vector<1x16xf32> to vector<16xf32>
    %get3A_244 = arith.constant 0 : i32
    %get3A_245 = arith.index_cast %get3A_244 : i32 to index
    %get3A_246 = arith.constant 64 : index
    %get3A_247 = tpu.vector_load %arg12[%get3A_245, %get3A_246] {strides = array<i32>} : memref<16x128xf32, #tpu.memory_space<vmem>>, vector<1x16xf32>,
    %get3A_248 = vector.shape_cast %get3A_247 : vector<1x16xf32> to vector<16xf32>
    %get3A_249 = arith.constant 0 : i32
    %get3A_250 = arith.index_cast %get3A_249 : i32 to index
    %get3A_251 = arith.constant 80 : index
    %get3A_252 = tpu.vector_load %arg12[%get3A_250, %get3A_251] {strides = array<i32>} : memref<16x128xf32, #tpu.memory_space<vmem>>, vector<1x16xf32>,
    %get3A_253 = vector.shape_cast %get3A_252 : vector<1x16xf32> to vector<16xf32>
    %get3A_254 = arith.constant 0 : i32
    %get3A_255 = arith.index_cast %get3A_254 : i32 to index
    %get3A_256 = arith.constant 96 : index
    %get3A_257 = tpu.vector_load %arg12[%get3A_255, %get3A_256] {strides = array<i32>} : memref<16x128xf32, #tpu.memory_space<vmem>>, vector<1x16xf32>,
    %get3A_258 = vector.shape_cast %get3A_257 : vector<1x16xf32> to vector<16xf32>
    %get3A_259 = arith.constant 0 : i32
    %get3A_260 = arith.index_cast %get3A_259 : i32 to index
    %get3A_261 = arith.constant 112 : index
    %get3A_262 = tpu.vector_load %arg12[%get3A_260, %get3A_261] {strides = array<i32>} : memref<16x128xf32, #tpu.memory_space<vmem>>, vector<1x16xf32>,
    %get3A_263 = vector.shape_cast %get3A_262 : vector<1x16xf32> to vector<16xf32>
    %scan3A_264 = arith.constant 1 : i32
    %scan3A_265 = arith.constant 15 : i32
    %scan3A_266 = arith.addi %scan3A_264, %scan3A_265 : i32
    %scan3A_267 = arith.constant 1 : i32
    %scan3A_268:8 = scf.for %scan3A_662 = %scan3A_264 to %scan3A_266 step %scan3A_267 iter_args(%scan3A_663 = %get3A_228, %scan3A_664 = %get3A_233, %scan3A_665 = %get3A_238, %scan3A_666 = %get3A_243, %scan3A_667 = %get3A_248, %scan3A_668 = %get3A_253, %scan3A_669 = %get3A_258, %scan3A_670 = %get3A_263) -> (vector<16xf32>, vector<16xf32>, vector<16xf32>, vector<16xf32>, vector<16xf32>, vector<16xf32>, vector<16xf32>, vector<16xf32>)  : i32 {
      %get3A_671 = arith.index_cast %scan3A_662 : i32 to index
      %get3A_672 = arith.constant 0 : index
      %get3A_673 = tpu.vector_load %arg12[%get3A_671, %get3A_672] {strides = array<i32>} : memref<16x128xf32, #tpu.memory_space<vmem>>, vector<1x16xf32>,
      %get3A_674 = vector.shape_cast %get3A_673 : vector<1x16xf32> to vector<16xf32>
      %add3A_675 = arith.addf %scan3A_663, %get3A_674 : vector<16xf32>
      %get3A_676 = arith.index_cast %scan3A_662 : i32 to index
      %get3A_677 = arith.constant 16 : index
      %get3A_678 = tpu.vector_load %arg12[%get3A_676, %get3A_677] {strides = array<i32>} : memref<16x128xf32, #tpu.memory_space<vmem>>, vector<1x16xf32>,
      %get3A_679 = vector.shape_cast %get3A_678 : vector<1x16xf32> to vector<16xf32>
      %add3A_680 = arith.addf %scan3A_664, %get3A_679 : vector<16xf32>
      %get3A_681 = arith.index_cast %scan3A_662 : i32 to index
      %get3A_682 = arith.constant 32 : index
      %get3A_683 = tpu.vector_load %arg12[%get3A_681, %get3A_682] {strides = array<i32>} : memref<16x128xf32, #tpu.memory_space<vmem>>, vector<1x16xf32>,
      %get3A_684 = vector.shape_cast %get3A_683 : vector<1x16xf32> to vector<16xf32>
      %add3A_685 = arith.addf %scan3A_665, %get3A_684 : vector<16xf32>
      %get3A_686 = arith.index_cast %scan3A_662 : i32 to index
      %get3A_687 = arith.constant 48 : index
      %get3A_688 = tpu.vector_load %arg12[%get3A_686, %get3A_687] {strides = array<i32>} : memref<16x128xf32, #tpu.memory_space<vmem>>, vector<1x16xf32>,
      %get3A_689 = vector.shape_cast %get3A_688 : vector<1x16xf32> to vector<16xf32>
      %add3A_690 = arith.addf %scan3A_666, %get3A_689 : vector<16xf32>
      %get3A_691 = arith.index_cast %scan3A_662 : i32 to index
      %get3A_692 = arith.constant 64 : index
      %get3A_693 = tpu.vector_load %arg12[%get3A_691, %get3A_692] {strides = array<i32>} : memref<16x128xf32, #tpu.memory_space<vmem>>, vector<1x16xf32>,
      %get3A_694 = vector.shape_cast %get3A_693 : vector<1x16xf32> to vector<16xf32>
      %add3A_695 = arith.addf %scan3A_667, %get3A_694 : vector<16xf32>
      %get3A_696 = arith.index_cast %scan3A_662 : i32 to index
      %get3A_697 = arith.constant 80 : index
      %get3A_698 = tpu.vector_load %arg12[%get3A_696, %get3A_697] {strides = array<i32>} : memref<16x128xf32, #tpu.memory_space<vmem>>, vector<1x16xf32>,
      %get3A_699 = vector.shape_cast %get3A_698 : vector<1x16xf32> to vector<16xf32>
      %add3A_700 = arith.addf %scan3A_668, %get3A_699 : vector<16xf32>
      %get3A_701 = arith.index_cast %scan3A_662 : i32 to index
      %get3A_702 = arith.constant 96 : index
      %get3A_703 = tpu.vector_load %arg12[%get3A_701, %get3A_702] {strides = array<i32>} : memref<16x128xf32, #tpu.memory_space<vmem>>, vector<1x16xf32>,
      %get3A_704 = vector.shape_cast %get3A_703 : vector<1x16xf32> to vector<16xf32>
      %add3A_705 = arith.addf %scan3A_669, %get3A_704 : vector<16xf32>
      %get3A_706 = arith.index_cast %scan3A_662 : i32 to index
      %get3A_707 = arith.constant 112 : index
      %get3A_708 = tpu.vector_load %arg12[%get3A_706, %get3A_707] {strides = array<i32>} : memref<16x128xf32, #tpu.memory_space<vmem>>, vector<1x16xf32>,
      %get3A_709 = vector.shape_cast %get3A_708 : vector<1x16xf32> to vector<16xf32>
      %add3A_710 = arith.addf %scan3A_670, %get3A_709 : vector<16xf32>
      scf.yield %add3A_675, %add3A_680, %add3A_685, %add3A_690, %add3A_695, %add3A_700, %add3A_705, %add3A_710 : vector<16xf32>, vector<16xf32>, vector<16xf32>, vector<16xf32>, vector<16xf32>, vector<16xf32>, vector<16xf32>, vector<16xf32>
    }
    %scan3A_269 = arith.constant 15 : i32
    %mul3A_270 = arith.constant 6.250000e-02 : f32
    %mul3A_271 = vector.broadcast %mul3A_270 : f32 to vector<16xf32>
    %mul3A_272 = arith.mulf %scan3A_268#0, %mul3A_271 : vector<16xf32>
    %swap3A_273 = arith.constant 0 : index
    %swap3A_274 = tpu.vector_load %arg13[%swap3A_273] {strides = array<i32>} : memref<128xf32, #tpu.memory_space<vmem>>, vector<16xf32>,
    %swap3A_275 = vector.shape_cast %swap3A_274 : vector<16xf32> to vector<16xf32>
    %swap3A_276 = vector.shape_cast %mul3A_272 : vector<16xf32> to vector<16xf32>
    tpu.vector_store %arg13[%swap3A_273], %swap3A_276 {strides = array<i32>} : memref<128xf32, #tpu.memory_space<vmem>>, vector<16xf32>,
    %mul3A_277 = arith.constant 6.250000e-02 : f32
    %mul3A_278 = vector.broadcast %mul3A_277 : f32 to vector<16xf32>
    %mul3A_279 = arith.mulf %scan3A_268#1, %mul3A_278 : vector<16xf32>
    %swap3A_280 = arith.constant 16 : index
    %swap3A_281 = tpu.vector_load %arg13[%swap3A_280] {strides = array<i32>} : memref<128xf32, #tpu.memory_space<vmem>>, vector<16xf32>,
    %swap3A_282 = vector.shape_cast %swap3A_281 : vector<16xf32> to vector<16xf32>
    %swap3A_283 = vector.shape_cast %mul3A_279 : vector<16xf32> to vector<16xf32>
    tpu.vector_store %arg13[%swap3A_280], %swap3A_283 {strides = array<i32>} : memref<128xf32, #tpu.memory_space<vmem>>, vector<16xf32>,
    %mul3A_284 = arith.constant 6.250000e-02 : f32
    %mul3A_285 = vector.broadcast %mul3A_284 : f32 to vector<16xf32>
    %mul3A_286 = arith.mulf %scan3A_268#2, %mul3A_285 : vector<16xf32>
    %swap3A_287 = arith.constant 32 : index
    %swap3A_288 = tpu.vector_load %arg13[%swap3A_287] {strides = array<i32>} : memref<128xf32, #tpu.memory_space<vmem>>, vector<16xf32>,
    %swap3A_289 = vector.shape_cast %swap3A_288 : vector<16xf32> to vector<16xf32>
    %swap3A_290 = vector.shape_cast %mul3A_286 : vector<16xf32> to vector<16xf32>
    tpu.vector_store %arg13[%swap3A_287], %swap3A_290 {strides = array<i32>} : memref<128xf32, #tpu.memory_space<vmem>>, vector<16xf32>,
    %mul3A_291 = arith.constant 6.250000e-02 : f32
    %mul3A_292 = vector.broadcast %mul3A_291 : f32 to vector<16xf32>
    %mul3A_293 = arith.mulf %scan3A_268#3, %mul3A_292 : vector<16xf32>
    %swap3A_294 = arith.constant 48 : index
    %swap3A_295 = tpu.vector_load %arg13[%swap3A_294] {strides = array<i32>} : memref<128xf32, #tpu.memory_space<vmem>>, vector<16xf32>,
    %swap3A_296 = vector.shape_cast %swap3A_295 : vector<16xf32> to vector<16xf32>
    %swap3A_297 = vector.shape_cast %mul3A_293 : vector<16xf32> to vector<16xf32>
    tpu.vector_store %arg13[%swap3A_294], %swap3A_297 {strides = array<i32>} : memref<128xf32, #tpu.memory_space<vmem>>, vector<16xf32>,
    %mul3A_298 = arith.constant 6.250000e-02 : f32
    %mul3A_299 = vector.broadcast %mul3A_298 : f32 to vector<16xf32>
    %mul3A_300 = arith.mulf %scan3A_268#4, %mul3A_299 : vector<16xf32>
    %swap3A_301 = arith.constant 64 : index
    %swap3A_302 = tpu.vector_load %arg13[%swap3A_301] {strides = array<i32>} : memref<128xf32, #tpu.memory_space<vmem>>, vector<16xf32>,
    %swap3A_303 = vector.shape_cast %swap3A_302 : vector<16xf32> to vector<16xf32>
    %swap3A_304 = vector.shape_cast %mul3A_300 : vector<16xf32> to vector<16xf32>
    tpu.vector_store %arg13[%swap3A_301], %swap3A_304 {strides = array<i32>} : memref<128xf32, #tpu.memory_space<vmem>>, vector<16xf32>,
    %mul3A_305 = arith.constant 6.250000e-02 : f32
    %mul3A_306 = vector.broadcast %mul3A_305 : f32 to vector<16xf32>
    %mul3A_307 = arith.mulf %scan3A_268#5, %mul3A_306 : vector<16xf32>
    %swap3A_308 = arith.constant 80 : index
    %swap3A_309 = tpu.vector_load %arg13[%swap3A_308] {strides = array<i32>} : memref<128xf32, #tpu.memory_space<vmem>>, vector<16xf32>,
    %swap3A_310 = vector.shape_cast %swap3A_309 : vector<16xf32> to vector<16xf32>
    %swap3A_311 = vector.shape_cast %mul3A_307 : vector<16xf32> to vector<16xf32>
    tpu.vector_store %arg13[%swap3A_308], %swap3A_311 {strides = array<i32>} : memref<128xf32, #tpu.memory_space<vmem>>, vector<16xf32>,
    %mul3A_312 = arith.constant 6.250000e-02 : f32
    %mul3A_313 = vector.broadcast %mul3A_312 : f32 to vector<16xf32>
    %mul3A_314 = arith.mulf %scan3A_268#6, %mul3A_313 : vector<16xf32>
    %swap3A_315 = arith.constant 96 : index
    %swap3A_316 = tpu.vector_load %arg13[%swap3A_315] {strides = array<i32>} : memref<128xf32, #tpu.memory_space<vmem>>, vector<16xf32>,
    %swap3A_317 = vector.shape_cast %swap3A_316 : vector<16xf32> to vector<16xf32>
    %swap3A_318 = vector.shape_cast %mul3A_314 : vector<16xf32> to vector<16xf32>
    tpu.vector_store %arg13[%swap3A_315], %swap3A_318 {strides = array<i32>} : memref<128xf32, #tpu.memory_space<vmem>>, vector<16xf32>,
    %mul3A_319 = arith.constant 6.250000e-02 : f32
    %mul3A_320 = vector.broadcast %mul3A_319 : f32 to vector<16xf32>
    %mul3A_321 = arith.mulf %scan3A_268#7, %mul3A_320 : vector<16xf32>
    %swap3A_322 = arith.constant 112 : index
    %swap3A_323 = tpu.vector_load %arg13[%swap3A_322] {strides = array<i32>} : memref<128xf32, #tpu.memory_space<vmem>>, vector<16xf32>,
    %swap3A_324 = vector.shape_cast %swap3A_323 : vector<16xf32> to vector<16xf32>
    %swap3A_325 = vector.shape_cast %mul3A_321 : vector<16xf32> to vector<16xf32>
    tpu.vector_store %arg13[%swap3A_322], %swap3A_325 {strides = array<i32>} : memref<128xf32, #tpu.memory_space<vmem>>, vector<16xf32>,
    %add3A_326 = arith.constant 128 : i32
    %add3A_327 = arith.addi %add3A_326, %add3A_4 : i32
    "tpu.region"() ({
      %run_scoped3A = tpu.sem_alloc : memref<!tpu.dma_semaphore, #tpu.memory_space<semaphore_mem>>
      %dma_start3A_662 = arith.constant 0 : i32
      %dma_start3A_663 = tpu.memref_slice %arg8[%add3A_327, %dma_start3A_662] : memref<256x128xf32, #tpu.memory_space<hbm>> -> memref<1x128xf32, #tpu.memory_space<hbm>>
      %dma_start3A_664 = tpu.memref_squeeze %dma_start3A_663 : memref<1x128xf32, #tpu.memory_space<hbm>> -> memref<128xf32, #tpu.memory_space<hbm>>
      %dma_start3A_665 = arith.constant 0 : i32
      %dma_start3A_666 = tpu.memref_slice %arg8[%add3A_327, %dma_start3A_665] : memref<256x128xf32, #tpu.memory_space<hbm>> -> memref<1x128xf32, #tpu.memory_space<hbm>>
      %dma_start3A_667 = tpu.memref_squeeze %dma_start3A_666 : memref<1x128xf32, #tpu.memory_space<hbm>> -> memref<128xf32, #tpu.memory_space<hbm>>
      tpu.enqueue_dma source(%arg13 : memref<128xf32, #tpu.memory_space<vmem>>) target(%dma_start3A_667 : memref<128xf32, #tpu.memory_space<hbm>>) target_semaphore(%run_scoped3A : memref<!tpu.dma_semaphore, #tpu.memory_space<semaphore_mem>>)
      %dma_wait3A_668 = arith.constant 0 : i32
      %dma_wait3A_669 = tpu.memref_slice %arg8[%add3A_327, %dma_wait3A_668] : memref<256x128xf32, #tpu.memory_space<hbm>> -> memref<1x128xf32, #tpu.memory_space<hbm>>
      %dma_wait3A_670 = tpu.memref_squeeze %dma_wait3A_669 : memref<1x128xf32, #tpu.memory_space<hbm>> -> memref<128xf32, #tpu.memory_space<hbm>>
      %dma_wait3A_671 = arith.constant 0 : i32
      %dma_wait3A_672 = tpu.memref_slice %arg8[%add3A_327, %dma_wait3A_671] : memref<256x128xf32, #tpu.memory_space<hbm>> -> memref<1x128xf32, #tpu.memory_space<hbm>>
      %dma_wait3A_673 = tpu.memref_squeeze %dma_wait3A_672 : memref<1x128xf32, #tpu.memory_space<hbm>> -> memref<128xf32, #tpu.memory_space<hbm>>
      tpu.wait_dma2 semaphore(%run_scoped3A : memref<!tpu.dma_semaphore, #tpu.memory_space<semaphore_mem>>) src(%arg13 : memref<128xf32, #tpu.memory_space<vmem>>) dst(%dma_wait3A_673 : memref<128xf32, #tpu.memory_space<hbm>>)
      tpu.yield
    }) : () -> ()
    %mul3A_328 = arith.constant 2 : i32
    %mul3A_329 = arith.muli %add3A, %mul3A_328 : i32
    %add3A_330 = arith.constant 1 : i32
    %add3A_331 = arith.addi %mul3A_329, %add3A_330 : i32
    "tpu.region"() ({
      %run_scoped3A = tpu.sem_alloc : memref<!tpu.dma_semaphore, #tpu.memory_space<semaphore_mem>>
      %dma_start3A_662 = arith.constant 0 : i32
      %dma_start3A_663 = tpu.memref_slice %arg2[%add3A_331, %dma_start3A_662] : memref<64x32xi32, #tpu.memory_space<hbm>> -> memref<1x32xi32, #tpu.memory_space<hbm>>
      %dma_start3A_664 = tpu.memref_squeeze %dma_start3A_663 : memref<1x32xi32, #tpu.memory_space<hbm>> -> memref<32xi32, #tpu.memory_space<hbm>>
      %dma_start3A_665 = arith.constant 0 : i32
      %dma_start3A_666 = tpu.memref_slice %arg2[%add3A_331, %dma_start3A_665] : memref<64x32xi32, #tpu.memory_space<hbm>> -> memref<1x32xi32, #tpu.memory_space<hbm>>
      %dma_start3A_667 = tpu.memref_squeeze %dma_start3A_666 : memref<1x32xi32, #tpu.memory_space<hbm>> -> memref<32xi32, #tpu.memory_space<hbm>>
      tpu.enqueue_dma source(%dma_start3A_667 : memref<32xi32, #tpu.memory_space<hbm>>) target(%arg9 : memref<32xi32, #tpu.memory_space<vmem>>) target_semaphore(%run_scoped3A : memref<!tpu.dma_semaphore, #tpu.memory_space<semaphore_mem>>)
      %dma_wait3A_668 = arith.constant 0 : i32
      %dma_wait3A_669 = tpu.memref_slice %arg2[%add3A_331, %dma_wait3A_668] : memref<64x32xi32, #tpu.memory_space<hbm>> -> memref<1x32xi32, #tpu.memory_space<hbm>>
      %dma_wait3A_670 = tpu.memref_squeeze %dma_wait3A_669 : memref<1x32xi32, #tpu.memory_space<hbm>> -> memref<32xi32, #tpu.memory_space<hbm>>
      %dma_wait3A_671 = arith.constant 0 : i32
      %dma_wait3A_672 = tpu.memref_slice %arg2[%add3A_331, %dma_wait3A_671] : memref<64x32xi32, #tpu.memory_space<hbm>> -> memref<1x32xi32, #tpu.memory_space<hbm>>
      %dma_wait3A_673 = tpu.memref_squeeze %dma_wait3A_672 : memref<1x32xi32, #tpu.memory_space<hbm>> -> memref<32xi32, #tpu.memory_space<hbm>>
      tpu.wait_dma2 semaphore(%run_scoped3A : memref<!tpu.dma_semaphore, #tpu.memory_space<semaphore_mem>>) src(%dma_wait3A_673 : memref<32xi32, #tpu.memory_space<hbm>>) dst(%arg9 : memref<32xi32, #tpu.memory_space<vmem>>)
      tpu.yield
    }) : () -> ()
    %dma_start3A_332 = arith.constant 0 : i32
    %dma_start3A_333 = arith.constant 0 : i32
    %dma_start3A_334 = tpu.memref_slice %arg6[%dma_start3A_332, %dma_start3A_333] : memref<100000x128xf32, #tpu.memory_space<hbm>> -> memref<100000x128xf32, #tpu.memory_space<hbm>>
    tpu.enqueue_indirect_dma source(%dma_start3A_334 : memref<100000x128xf32, #tpu.memory_space<hbm>>) target(%arg11 : memref<32x128xf32, #tpu.memory_space<vmem>>) offsets(%arg9 : memref<32xi32, #tpu.memory_space<vmem>>) semaphore(%arg16 : memref<!tpu.dma_semaphore, #tpu.memory_space<semaphore_mem>>)
    %dma_wait3A_335 = arith.constant 0 : i32
    %dma_wait3A_336 = arith.constant 0 : i32
    %dma_wait3A_337 = tpu.memref_slice %arg6[%dma_wait3A_335, %dma_wait3A_336] : memref<100000x128xf32, #tpu.memory_space<hbm>> -> memref<100000x128xf32, #tpu.memory_space<hbm>>
    tpu.wait_indirect_dma semaphore(%arg16 : memref<!tpu.dma_semaphore, #tpu.memory_space<semaphore_mem>>) src(%dma_wait3A_337 : memref<100000x128xf32, #tpu.memory_space<hbm>>) dst(%arg11 : memref<32x128xf32, #tpu.memory_space<vmem>>)
    %get3A_338 = arith.constant 0 : i32
    %get3A_339 = arith.index_cast %get3A_338 : i32 to index
    %get3A_340 = arith.constant 0 : index
    %get3A_341 = tpu.vector_load %arg11[%get3A_339, %get3A_340] {strides = array<i32>} : memref<32x128xf32, #tpu.memory_space<vmem>>, vector<1x16xf32>,
    %get3A_342 = vector.shape_cast %get3A_341 : vector<1x16xf32> to vector<16xf32>
    %get3A_343 = arith.constant 0 : i32
    %get3A_344 = arith.index_cast %get3A_343 : i32 to index
    %get3A_345 = arith.constant 16 : index
    %get3A_346 = tpu.vector_load %arg11[%get3A_344, %get3A_345] {strides = array<i32>} : memref<32x128xf32, #tpu.memory_space<vmem>>, vector<1x16xf32>,
    %get3A_347 = vector.shape_cast %get3A_346 : vector<1x16xf32> to vector<16xf32>
    %get3A_348 = arith.constant 0 : i32
    %get3A_349 = arith.index_cast %get3A_348 : i32 to index
    %get3A_350 = arith.constant 32 : index
    %get3A_351 = tpu.vector_load %arg11[%get3A_349, %get3A_350] {strides = array<i32>} : memref<32x128xf32, #tpu.memory_space<vmem>>, vector<1x16xf32>,
    %get3A_352 = vector.shape_cast %get3A_351 : vector<1x16xf32> to vector<16xf32>
    %get3A_353 = arith.constant 0 : i32
    %get3A_354 = arith.index_cast %get3A_353 : i32 to index
    %get3A_355 = arith.constant 48 : index
    %get3A_356 = tpu.vector_load %arg11[%get3A_354, %get3A_355] {strides = array<i32>} : memref<32x128xf32, #tpu.memory_space<vmem>>, vector<1x16xf32>,
    %get3A_357 = vector.shape_cast %get3A_356 : vector<1x16xf32> to vector<16xf32>
    %get3A_358 = arith.constant 0 : i32
    %get3A_359 = arith.index_cast %get3A_358 : i32 to index
    %get3A_360 = arith.constant 64 : index
    %get3A_361 = tpu.vector_load %arg11[%get3A_359, %get3A_360] {strides = array<i32>} : memref<32x128xf32, #tpu.memory_space<vmem>>, vector<1x16xf32>,
    %get3A_362 = vector.shape_cast %get3A_361 : vector<1x16xf32> to vector<16xf32>
    %get3A_363 = arith.constant 0 : i32
    %get3A_364 = arith.index_cast %get3A_363 : i32 to index
    %get3A_365 = arith.constant 80 : index
    %get3A_366 = tpu.vector_load %arg11[%get3A_364, %get3A_365] {strides = array<i32>} : memref<32x128xf32, #tpu.memory_space<vmem>>, vector<1x16xf32>,
    %get3A_367 = vector.shape_cast %get3A_366 : vector<1x16xf32> to vector<16xf32>
    %get3A_368 = arith.constant 0 : i32
    %get3A_369 = arith.index_cast %get3A_368 : i32 to index
    %get3A_370 = arith.constant 96 : index
    %get3A_371 = tpu.vector_load %arg11[%get3A_369, %get3A_370] {strides = array<i32>} : memref<32x128xf32, #tpu.memory_space<vmem>>, vector<1x16xf32>,
    %get3A_372 = vector.shape_cast %get3A_371 : vector<1x16xf32> to vector<16xf32>
    %get3A_373 = arith.constant 0 : i32
    %get3A_374 = arith.index_cast %get3A_373 : i32 to index
    %get3A_375 = arith.constant 112 : index
    %get3A_376 = tpu.vector_load %arg11[%get3A_374, %get3A_375] {strides = array<i32>} : memref<32x128xf32, #tpu.memory_space<vmem>>, vector<1x16xf32>,
    %get3A_377 = vector.shape_cast %get3A_376 : vector<1x16xf32> to vector<16xf32>
    %scan3A_378 = arith.constant 1 : i32
    %scan3A_379 = arith.constant 31 : i32
    %scan3A_380 = arith.addi %scan3A_378, %scan3A_379 : i32
    %scan3A_381 = arith.constant 1 : i32
    %scan3A_382:8 = scf.for %scan3A_662 = %scan3A_378 to %scan3A_380 step %scan3A_381 iter_args(%scan3A_663 = %get3A_342, %scan3A_664 = %get3A_347, %scan3A_665 = %get3A_352, %scan3A_666 = %get3A_357, %scan3A_667 = %get3A_362, %scan3A_668 = %get3A_367, %scan3A_669 = %get3A_372, %scan3A_670 = %get3A_377) -> (vector<16xf32>, vector<16xf32>, vector<16xf32>, vector<16xf32>, vector<16xf32>, vector<16xf32>, vector<16xf32>, vector<16xf32>)  : i32 {
      %get3A_671 = arith.index_cast %scan3A_662 : i32 to index
      %get3A_672 = arith.constant 0 : index
      %get3A_673 = tpu.vector_load %arg11[%get3A_671, %get3A_672] {strides = array<i32>} : memref<32x128xf32, #tpu.memory_space<vmem>>, vector<1x16xf32>,
      %get3A_674 = vector.shape_cast %get3A_673 : vector<1x16xf32> to vector<16xf32>
      %add3A_675 = arith.addf %scan3A_663, %get3A_674 : vector<16xf32>
      %get3A_676 = arith.index_cast %scan3A_662 : i32 to index
      %get3A_677 = arith.constant 16 : index
      %get3A_678 = tpu.vector_load %arg11[%get3A_676, %get3A_677] {strides = array<i32>} : memref<32x128xf32, #tpu.memory_space<vmem>>, vector<1x16xf32>,
      %get3A_679 = vector.shape_cast %get3A_678 : vector<1x16xf32> to vector<16xf32>
      %add3A_680 = arith.addf %scan3A_664, %get3A_679 : vector<16xf32>
      %get3A_681 = arith.index_cast %scan3A_662 : i32 to index
      %get3A_682 = arith.constant 32 : index
      %get3A_683 = tpu.vector_load %arg11[%get3A_681, %get3A_682] {strides = array<i32>} : memref<32x128xf32, #tpu.memory_space<vmem>>, vector<1x16xf32>,
      %get3A_684 = vector.shape_cast %get3A_683 : vector<1x16xf32> to vector<16xf32>
      %add3A_685 = arith.addf %scan3A_665, %get3A_684 : vector<16xf32>
      %get3A_686 = arith.index_cast %scan3A_662 : i32 to index
      %get3A_687 = arith.constant 48 : index
      %get3A_688 = tpu.vector_load %arg11[%get3A_686, %get3A_687] {strides = array<i32>} : memref<32x128xf32, #tpu.memory_space<vmem>>, vector<1x16xf32>,
      %get3A_689 = vector.shape_cast %get3A_688 : vector<1x16xf32> to vector<16xf32>
      %add3A_690 = arith.addf %scan3A_666, %get3A_689 : vector<16xf32>
      %get3A_691 = arith.index_cast %scan3A_662 : i32 to index
      %get3A_692 = arith.constant 64 : index
      %get3A_693 = tpu.vector_load %arg11[%get3A_691, %get3A_692] {strides = array<i32>} : memref<32x128xf32, #tpu.memory_space<vmem>>, vector<1x16xf32>,
      %get3A_694 = vector.shape_cast %get3A_693 : vector<1x16xf32> to vector<16xf32>
      %add3A_695 = arith.addf %scan3A_667, %get3A_694 : vector<16xf32>
      %get3A_696 = arith.index_cast %scan3A_662 : i32 to index
      %get3A_697 = arith.constant 80 : index
      %get3A_698 = tpu.vector_load %arg11[%get3A_696, %get3A_697] {strides = array<i32>} : memref<32x128xf32, #tpu.memory_space<vmem>>, vector<1x16xf32>,
      %get3A_699 = vector.shape_cast %get3A_698 : vector<1x16xf32> to vector<16xf32>
      %add3A_700 = arith.addf %scan3A_668, %get3A_699 : vector<16xf32>
      %get3A_701 = arith.index_cast %scan3A_662 : i32 to index
      %get3A_702 = arith.constant 96 : index
      %get3A_703 = tpu.vector_load %arg11[%get3A_701, %get3A_702] {strides = array<i32>} : memref<32x128xf32, #tpu.memory_space<vmem>>, vector<1x16xf32>,
      %get3A_704 = vector.shape_cast %get3A_703 : vector<1x16xf32> to vector<16xf32>
      %add3A_705 = arith.addf %scan3A_669, %get3A_704 : vector<16xf32>
      %get3A_706 = arith.index_cast %scan3A_662 : i32 to index
      %get3A_707 = arith.constant 112 : index
      %get3A_708 = tpu.vector_load %arg11[%get3A_706, %get3A_707] {strides = array<i32>} : memref<32x128xf32, #tpu.memory_space<vmem>>, vector<1x16xf32>,
      %get3A_709 = vector.shape_cast %get3A_708 : vector<1x16xf32> to vector<16xf32>
      %add3A_710 = arith.addf %scan3A_670, %get3A_709 : vector<16xf32>
      scf.yield %add3A_675, %add3A_680, %add3A_685, %add3A_690, %add3A_695, %add3A_700, %add3A_705, %add3A_710 : vector<16xf32>, vector<16xf32>, vector<16xf32>, vector<16xf32>, vector<16xf32>, vector<16xf32>, vector<16xf32>, vector<16xf32>
    }
    %scan3A_383 = arith.constant 31 : i32
    %mul3A_384 = arith.constant 3.125000e-02 : f32
    %mul3A_385 = vector.broadcast %mul3A_384 : f32 to vector<16xf32>
    %mul3A_386 = arith.mulf %scan3A_382#0, %mul3A_385 : vector<16xf32>
    %swap3A_387 = arith.constant 0 : index
    %swap3A_388 = tpu.vector_load %arg13[%swap3A_387] {strides = array<i32>} : memref<128xf32, #tpu.memory_space<vmem>>, vector<16xf32>,
    %swap3A_389 = vector.shape_cast %swap3A_388 : vector<16xf32> to vector<16xf32>
    %swap3A_390 = vector.shape_cast %mul3A_386 : vector<16xf32> to vector<16xf32>
    tpu.vector_store %arg13[%swap3A_387], %swap3A_390 {strides = array<i32>} : memref<128xf32, #tpu.memory_space<vmem>>, vector<16xf32>,
    %mul3A_391 = arith.constant 3.125000e-02 : f32
    %mul3A_392 = vector.broadcast %mul3A_391 : f32 to vector<16xf32>
    %mul3A_393 = arith.mulf %scan3A_382#1, %mul3A_392 : vector<16xf32>
    %swap3A_394 = arith.constant 16 : index
    %swap3A_395 = tpu.vector_load %arg13[%swap3A_394] {strides = array<i32>} : memref<128xf32, #tpu.memory_space<vmem>>, vector<16xf32>,
    %swap3A_396 = vector.shape_cast %swap3A_395 : vector<16xf32> to vector<16xf32>
    %swap3A_397 = vector.shape_cast %mul3A_393 : vector<16xf32> to vector<16xf32>
    tpu.vector_store %arg13[%swap3A_394], %swap3A_397 {strides = array<i32>} : memref<128xf32, #tpu.memory_space<vmem>>, vector<16xf32>,
    %mul3A_398 = arith.constant 3.125000e-02 : f32
    %mul3A_399 = vector.broadcast %mul3A_398 : f32 to vector<16xf32>
    %mul3A_400 = arith.mulf %scan3A_382#2, %mul3A_399 : vector<16xf32>
    %swap3A_401 = arith.constant 32 : index
    %swap3A_402 = tpu.vector_load %arg13[%swap3A_401] {strides = array<i32>} : memref<128xf32, #tpu.memory_space<vmem>>, vector<16xf32>,
    %swap3A_403 = vector.shape_cast %swap3A_402 : vector<16xf32> to vector<16xf32>
    %swap3A_404 = vector.shape_cast %mul3A_400 : vector<16xf32> to vector<16xf32>
    tpu.vector_store %arg13[%swap3A_401], %swap3A_404 {strides = array<i32>} : memref<128xf32, #tpu.memory_space<vmem>>, vector<16xf32>,
    %mul3A_405 = arith.constant 3.125000e-02 : f32
    %mul3A_406 = vector.broadcast %mul3A_405 : f32 to vector<16xf32>
    %mul3A_407 = arith.mulf %scan3A_382#3, %mul3A_406 : vector<16xf32>
    %swap3A_408 = arith.constant 48 : index
    %swap3A_409 = tpu.vector_load %arg13[%swap3A_408] {strides = array<i32>} : memref<128xf32, #tpu.memory_space<vmem>>, vector<16xf32>,
    %swap3A_410 = vector.shape_cast %swap3A_409 : vector<16xf32> to vector<16xf32>
    %swap3A_411 = vector.shape_cast %mul3A_407 : vector<16xf32> to vector<16xf32>
    tpu.vector_store %arg13[%swap3A_408], %swap3A_411 {strides = array<i32>} : memref<128xf32, #tpu.memory_space<vmem>>, vector<16xf32>,
    %mul3A_412 = arith.constant 3.125000e-02 : f32
    %mul3A_413 = vector.broadcast %mul3A_412 : f32 to vector<16xf32>
    %mul3A_414 = arith.mulf %scan3A_382#4, %mul3A_413 : vector<16xf32>
    %swap3A_415 = arith.constant 64 : index
    %swap3A_416 = tpu.vector_load %arg13[%swap3A_415] {strides = array<i32>} : memref<128xf32, #tpu.memory_space<vmem>>, vector<16xf32>,
    %swap3A_417 = vector.shape_cast %swap3A_416 : vector<16xf32> to vector<16xf32>
    %swap3A_418 = vector.shape_cast %mul3A_414 : vector<16xf32> to vector<16xf32>
    tpu.vector_store %arg13[%swap3A_415], %swap3A_418 {strides = array<i32>} : memref<128xf32, #tpu.memory_space<vmem>>, vector<16xf32>,
    %mul3A_419 = arith.constant 3.125000e-02 : f32
    %mul3A_420 = vector.broadcast %mul3A_419 : f32 to vector<16xf32>
    %mul3A_421 = arith.mulf %scan3A_382#5, %mul3A_420 : vector<16xf32>
    %swap3A_422 = arith.constant 80 : index
    %swap3A_423 = tpu.vector_load %arg13[%swap3A_422] {strides = array<i32>} : memref<128xf32, #tpu.memory_space<vmem>>, vector<16xf32>,
    %swap3A_424 = vector.shape_cast %swap3A_423 : vector<16xf32> to vector<16xf32>
    %swap3A_425 = vector.shape_cast %mul3A_421 : vector<16xf32> to vector<16xf32>
    tpu.vector_store %arg13[%swap3A_422], %swap3A_425 {strides = array<i32>} : memref<128xf32, #tpu.memory_space<vmem>>, vector<16xf32>,
    %mul3A_426 = arith.constant 3.125000e-02 : f32
    %mul3A_427 = vector.broadcast %mul3A_426 : f32 to vector<16xf32>
    %mul3A_428 = arith.mulf %scan3A_382#6, %mul3A_427 : vector<16xf32>
    %swap3A_429 = arith.constant 96 : index
    %swap3A_430 = tpu.vector_load %arg13[%swap3A_429] {strides = array<i32>} : memref<128xf32, #tpu.memory_space<vmem>>, vector<16xf32>,
    %swap3A_431 = vector.shape_cast %swap3A_430 : vector<16xf32> to vector<16xf32>
    %swap3A_432 = vector.shape_cast %mul3A_428 : vector<16xf32> to vector<16xf32>
    tpu.vector_store %arg13[%swap3A_429], %swap3A_432 {strides = array<i32>} : memref<128xf32, #tpu.memory_space<vmem>>, vector<16xf32>,
    %mul3A_433 = arith.constant 3.125000e-02 : f32
    %mul3A_434 = vector.broadcast %mul3A_433 : f32 to vector<16xf32>
    %mul3A_435 = arith.mulf %scan3A_382#7, %mul3A_434 : vector<16xf32>
    %swap3A_436 = arith.constant 112 : index
    %swap3A_437 = tpu.vector_load %arg13[%swap3A_436] {strides = array<i32>} : memref<128xf32, #tpu.memory_space<vmem>>, vector<16xf32>,
    %swap3A_438 = vector.shape_cast %swap3A_437 : vector<16xf32> to vector<16xf32>
    %swap3A_439 = vector.shape_cast %mul3A_435 : vector<16xf32> to vector<16xf32>
    tpu.vector_store %arg13[%swap3A_436], %swap3A_439 {strides = array<i32>} : memref<128xf32, #tpu.memory_space<vmem>>, vector<16xf32>,
    "tpu.region"() ({
      %run_scoped3A = tpu.sem_alloc : memref<!tpu.dma_semaphore, #tpu.memory_space<semaphore_mem>>
      %dma_start3A_662 = arith.constant 0 : i32
      %dma_start3A_663 = tpu.memref_slice %arg8[%add3A_331, %dma_start3A_662] : memref<256x128xf32, #tpu.memory_space<hbm>> -> memref<1x128xf32, #tpu.memory_space<hbm>>
      %dma_start3A_664 = tpu.memref_squeeze %dma_start3A_663 : memref<1x128xf32, #tpu.memory_space<hbm>> -> memref<128xf32, #tpu.memory_space<hbm>>
      %dma_start3A_665 = arith.constant 0 : i32
      %dma_start3A_666 = tpu.memref_slice %arg8[%add3A_331, %dma_start3A_665] : memref<256x128xf32, #tpu.memory_space<hbm>> -> memref<1x128xf32, #tpu.memory_space<hbm>>
      %dma_start3A_667 = tpu.memref_squeeze %dma_start3A_666 : memref<1x128xf32, #tpu.memory_space<hbm>> -> memref<128xf32, #tpu.memory_space<hbm>>
      tpu.enqueue_dma source(%arg13 : memref<128xf32, #tpu.memory_space<vmem>>) target(%dma_start3A_667 : memref<128xf32, #tpu.memory_space<hbm>>) target_semaphore(%run_scoped3A : memref<!tpu.dma_semaphore, #tpu.memory_space<semaphore_mem>>)
      %dma_wait3A_668 = arith.constant 0 : i32
      %dma_wait3A_669 = tpu.memref_slice %arg8[%add3A_331, %dma_wait3A_668] : memref<256x128xf32, #tpu.memory_space<hbm>> -> memref<1x128xf32, #tpu.memory_space<hbm>>
      %dma_wait3A_670 = tpu.memref_squeeze %dma_wait3A_669 : memref<1x128xf32, #tpu.memory_space<hbm>> -> memref<128xf32, #tpu.memory_space<hbm>>
      %dma_wait3A_671 = arith.constant 0 : i32
      %dma_wait3A_672 = tpu.memref_slice %arg8[%add3A_331, %dma_wait3A_671] : memref<256x128xf32, #tpu.memory_space<hbm>> -> memref<1x128xf32, #tpu.memory_space<hbm>>
      %dma_wait3A_673 = tpu.memref_squeeze %dma_wait3A_672 : memref<1x128xf32, #tpu.memory_space<hbm>> -> memref<128xf32, #tpu.memory_space<hbm>>
      tpu.wait_dma2 semaphore(%run_scoped3A : memref<!tpu.dma_semaphore, #tpu.memory_space<semaphore_mem>>) src(%arg13 : memref<128xf32, #tpu.memory_space<vmem>>) dst(%dma_wait3A_673 : memref<128xf32, #tpu.memory_space<hbm>>)
      tpu.yield
    }) : () -> ()
    "tpu.region"() ({
      %run_scoped3A = tpu.sem_alloc : memref<!tpu.dma_semaphore, #tpu.memory_space<semaphore_mem>>
      %dma_start3A_662 = arith.constant 0 : i32
      %dma_start3A_663 = tpu.memref_slice %arg3[%add3A_331, %dma_start3A_662] : memref<64x32xi32, #tpu.memory_space<hbm>> -> memref<1x32xi32, #tpu.memory_space<hbm>>
      %dma_start3A_664 = tpu.memref_squeeze %dma_start3A_663 : memref<1x32xi32, #tpu.memory_space<hbm>> -> memref<32xi32, #tpu.memory_space<hbm>>
      %dma_start3A_665 = arith.constant 0 : i32
      %dma_start3A_666 = tpu.memref_slice %arg3[%add3A_331, %dma_start3A_665] : memref<64x32xi32, #tpu.memory_space<hbm>> -> memref<1x32xi32, #tpu.memory_space<hbm>>
      %dma_start3A_667 = tpu.memref_squeeze %dma_start3A_666 : memref<1x32xi32, #tpu.memory_space<hbm>> -> memref<32xi32, #tpu.memory_space<hbm>>
      tpu.enqueue_dma source(%dma_start3A_667 : memref<32xi32, #tpu.memory_space<hbm>>) target(%arg9 : memref<32xi32, #tpu.memory_space<vmem>>) target_semaphore(%run_scoped3A : memref<!tpu.dma_semaphore, #tpu.memory_space<semaphore_mem>>)
      %dma_wait3A_668 = arith.constant 0 : i32
      %dma_wait3A_669 = tpu.memref_slice %arg3[%add3A_331, %dma_wait3A_668] : memref<64x32xi32, #tpu.memory_space<hbm>> -> memref<1x32xi32, #tpu.memory_space<hbm>>
      %dma_wait3A_670 = tpu.memref_squeeze %dma_wait3A_669 : memref<1x32xi32, #tpu.memory_space<hbm>> -> memref<32xi32, #tpu.memory_space<hbm>>
      %dma_wait3A_671 = arith.constant 0 : i32
      %dma_wait3A_672 = tpu.memref_slice %arg3[%add3A_331, %dma_wait3A_671] : memref<64x32xi32, #tpu.memory_space<hbm>> -> memref<1x32xi32, #tpu.memory_space<hbm>>
      %dma_wait3A_673 = tpu.memref_squeeze %dma_wait3A_672 : memref<1x32xi32, #tpu.memory_space<hbm>> -> memref<32xi32, #tpu.memory_space<hbm>>
      tpu.wait_dma2 semaphore(%run_scoped3A : memref<!tpu.dma_semaphore, #tpu.memory_space<semaphore_mem>>) src(%dma_wait3A_673 : memref<32xi32, #tpu.memory_space<hbm>>) dst(%arg9 : memref<32xi32, #tpu.memory_space<vmem>>)
      tpu.yield
    }) : () -> ()
    %dma_start3A_440 = arith.constant 0 : i32
    %dma_start3A_441 = arith.constant 0 : i32
    %dma_start3A_442 = tpu.memref_slice %arg6[%dma_start3A_440, %dma_start3A_441] : memref<100000x128xf32, #tpu.memory_space<hbm>> -> memref<100000x128xf32, #tpu.memory_space<hbm>>
    tpu.enqueue_indirect_dma source(%dma_start3A_442 : memref<100000x128xf32, #tpu.memory_space<hbm>>) target(%arg11 : memref<32x128xf32, #tpu.memory_space<vmem>>) offsets(%arg9 : memref<32xi32, #tpu.memory_space<vmem>>) semaphore(%arg16 : memref<!tpu.dma_semaphore, #tpu.memory_space<semaphore_mem>>)
    %dma_wait3A_443 = arith.constant 0 : i32
    %dma_wait3A_444 = arith.constant 0 : i32
    %dma_wait3A_445 = tpu.memref_slice %arg6[%dma_wait3A_443, %dma_wait3A_444] : memref<100000x128xf32, #tpu.memory_space<hbm>> -> memref<100000x128xf32, #tpu.memory_space<hbm>>
    tpu.wait_indirect_dma semaphore(%arg16 : memref<!tpu.dma_semaphore, #tpu.memory_space<semaphore_mem>>) src(%dma_wait3A_445 : memref<100000x128xf32, #tpu.memory_space<hbm>>) dst(%arg11 : memref<32x128xf32, #tpu.memory_space<vmem>>)
    %get3A_446 = arith.constant 0 : i32
    %get3A_447 = arith.index_cast %get3A_446 : i32 to index
    %get3A_448 = arith.constant 0 : index
    %get3A_449 = tpu.vector_load %arg11[%get3A_447, %get3A_448] {strides = array<i32>} : memref<32x128xf32, #tpu.memory_space<vmem>>, vector<1x16xf32>,
    %get3A_450 = vector.shape_cast %get3A_449 : vector<1x16xf32> to vector<16xf32>
    %get3A_451 = arith.constant 0 : i32
    %get3A_452 = arith.index_cast %get3A_451 : i32 to index
    %get3A_453 = arith.constant 16 : index
    %get3A_454 = tpu.vector_load %arg11[%get3A_452, %get3A_453] {strides = array<i32>} : memref<32x128xf32, #tpu.memory_space<vmem>>, vector<1x16xf32>,
    %get3A_455 = vector.shape_cast %get3A_454 : vector<1x16xf32> to vector<16xf32>
    %get3A_456 = arith.constant 0 : i32
    %get3A_457 = arith.index_cast %get3A_456 : i32 to index
    %get3A_458 = arith.constant 32 : index
    %get3A_459 = tpu.vector_load %arg11[%get3A_457, %get3A_458] {strides = array<i32>} : memref<32x128xf32, #tpu.memory_space<vmem>>, vector<1x16xf32>,
    %get3A_460 = vector.shape_cast %get3A_459 : vector<1x16xf32> to vector<16xf32>
    %get3A_461 = arith.constant 0 : i32
    %get3A_462 = arith.index_cast %get3A_461 : i32 to index
    %get3A_463 = arith.constant 48 : index
    %get3A_464 = tpu.vector_load %arg11[%get3A_462, %get3A_463] {strides = array<i32>} : memref<32x128xf32, #tpu.memory_space<vmem>>, vector<1x16xf32>,
    %get3A_465 = vector.shape_cast %get3A_464 : vector<1x16xf32> to vector<16xf32>
    %get3A_466 = arith.constant 0 : i32
    %get3A_467 = arith.index_cast %get3A_466 : i32 to index
    %get3A_468 = arith.constant 64 : index
    %get3A_469 = tpu.vector_load %arg11[%get3A_467, %get3A_468] {strides = array<i32>} : memref<32x128xf32, #tpu.memory_space<vmem>>, vector<1x16xf32>,
    %get3A_470 = vector.shape_cast %get3A_469 : vector<1x16xf32> to vector<16xf32>
    %get3A_471 = arith.constant 0 : i32
    %get3A_472 = arith.index_cast %get3A_471 : i32 to index
    %get3A_473 = arith.constant 80 : index
    %get3A_474 = tpu.vector_load %arg11[%get3A_472, %get3A_473] {strides = array<i32>} : memref<32x128xf32, #tpu.memory_space<vmem>>, vector<1x16xf32>,
    %get3A_475 = vector.shape_cast %get3A_474 : vector<1x16xf32> to vector<16xf32>
    %get3A_476 = arith.constant 0 : i32
    %get3A_477 = arith.index_cast %get3A_476 : i32 to index
    %get3A_478 = arith.constant 96 : index
    %get3A_479 = tpu.vector_load %arg11[%get3A_477, %get3A_478] {strides = array<i32>} : memref<32x128xf32, #tpu.memory_space<vmem>>, vector<1x16xf32>,
    %get3A_480 = vector.shape_cast %get3A_479 : vector<1x16xf32> to vector<16xf32>
    %get3A_481 = arith.constant 0 : i32
    %get3A_482 = arith.index_cast %get3A_481 : i32 to index
    %get3A_483 = arith.constant 112 : index
    %get3A_484 = tpu.vector_load %arg11[%get3A_482, %get3A_483] {strides = array<i32>} : memref<32x128xf32, #tpu.memory_space<vmem>>, vector<1x16xf32>,
    %get3A_485 = vector.shape_cast %get3A_484 : vector<1x16xf32> to vector<16xf32>
    %scan3A_486 = arith.constant 1 : i32
    %scan3A_487 = arith.constant 31 : i32
    %scan3A_488 = arith.addi %scan3A_486, %scan3A_487 : i32
    %scan3A_489 = arith.constant 1 : i32
    %scan3A_490:8 = scf.for %scan3A_662 = %scan3A_486 to %scan3A_488 step %scan3A_489 iter_args(%scan3A_663 = %get3A_450, %scan3A_664 = %get3A_455, %scan3A_665 = %get3A_460, %scan3A_666 = %get3A_465, %scan3A_667 = %get3A_470, %scan3A_668 = %get3A_475, %scan3A_669 = %get3A_480, %scan3A_670 = %get3A_485) -> (vector<16xf32>, vector<16xf32>, vector<16xf32>, vector<16xf32>, vector<16xf32>, vector<16xf32>, vector<16xf32>, vector<16xf32>)  : i32 {
      %get3A_671 = arith.index_cast %scan3A_662 : i32 to index
      %get3A_672 = arith.constant 0 : index
      %get3A_673 = tpu.vector_load %arg11[%get3A_671, %get3A_672] {strides = array<i32>} : memref<32x128xf32, #tpu.memory_space<vmem>>, vector<1x16xf32>,
      %get3A_674 = vector.shape_cast %get3A_673 : vector<1x16xf32> to vector<16xf32>
      %add3A_675 = arith.addf %scan3A_663, %get3A_674 : vector<16xf32>
      %get3A_676 = arith.index_cast %scan3A_662 : i32 to index
      %get3A_677 = arith.constant 16 : index
      %get3A_678 = tpu.vector_load %arg11[%get3A_676, %get3A_677] {strides = array<i32>} : memref<32x128xf32, #tpu.memory_space<vmem>>, vector<1x16xf32>,
      %get3A_679 = vector.shape_cast %get3A_678 : vector<1x16xf32> to vector<16xf32>
      %add3A_680 = arith.addf %scan3A_664, %get3A_679 : vector<16xf32>
      %get3A_681 = arith.index_cast %scan3A_662 : i32 to index
      %get3A_682 = arith.constant 32 : index
      %get3A_683 = tpu.vector_load %arg11[%get3A_681, %get3A_682] {strides = array<i32>} : memref<32x128xf32, #tpu.memory_space<vmem>>, vector<1x16xf32>,
      %get3A_684 = vector.shape_cast %get3A_683 : vector<1x16xf32> to vector<16xf32>
      %add3A_685 = arith.addf %scan3A_665, %get3A_684 : vector<16xf32>
      %get3A_686 = arith.index_cast %scan3A_662 : i32 to index
      %get3A_687 = arith.constant 48 : index
      %get3A_688 = tpu.vector_load %arg11[%get3A_686, %get3A_687] {strides = array<i32>} : memref<32x128xf32, #tpu.memory_space<vmem>>, vector<1x16xf32>,
      %get3A_689 = vector.shape_cast %get3A_688 : vector<1x16xf32> to vector<16xf32>
      %add3A_690 = arith.addf %scan3A_666, %get3A_689 : vector<16xf32>
      %get3A_691 = arith.index_cast %scan3A_662 : i32 to index
      %get3A_692 = arith.constant 64 : index
      %get3A_693 = tpu.vector_load %arg11[%get3A_691, %get3A_692] {strides = array<i32>} : memref<32x128xf32, #tpu.memory_space<vmem>>, vector<1x16xf32>,
      %get3A_694 = vector.shape_cast %get3A_693 : vector<1x16xf32> to vector<16xf32>
      %add3A_695 = arith.addf %scan3A_667, %get3A_694 : vector<16xf32>
      %get3A_696 = arith.index_cast %scan3A_662 : i32 to index
      %get3A_697 = arith.constant 80 : index
      %get3A_698 = tpu.vector_load %arg11[%get3A_696, %get3A_697] {strides = array<i32>} : memref<32x128xf32, #tpu.memory_space<vmem>>, vector<1x16xf32>,
      %get3A_699 = vector.shape_cast %get3A_698 : vector<1x16xf32> to vector<16xf32>
      %add3A_700 = arith.addf %scan3A_668, %get3A_699 : vector<16xf32>
      %get3A_701 = arith.index_cast %scan3A_662 : i32 to index
      %get3A_702 = arith.constant 96 : index
      %get3A_703 = tpu.vector_load %arg11[%get3A_701, %get3A_702] {strides = array<i32>} : memref<32x128xf32, #tpu.memory_space<vmem>>, vector<1x16xf32>,
      %get3A_704 = vector.shape_cast %get3A_703 : vector<1x16xf32> to vector<16xf32>
      %add3A_705 = arith.addf %scan3A_669, %get3A_704 : vector<16xf32>
      %get3A_706 = arith.index_cast %scan3A_662 : i32 to index
      %get3A_707 = arith.constant 112 : index
      %get3A_708 = tpu.vector_load %arg11[%get3A_706, %get3A_707] {strides = array<i32>} : memref<32x128xf32, #tpu.memory_space<vmem>>, vector<1x16xf32>,
      %get3A_709 = vector.shape_cast %get3A_708 : vector<1x16xf32> to vector<16xf32>
      %add3A_710 = arith.addf %scan3A_670, %get3A_709 : vector<16xf32>
      scf.yield %add3A_675, %add3A_680, %add3A_685, %add3A_690, %add3A_695, %add3A_700, %add3A_705, %add3A_710 : vector<16xf32>, vector<16xf32>, vector<16xf32>, vector<16xf32>, vector<16xf32>, vector<16xf32>, vector<16xf32>, vector<16xf32>
    }
    %scan3A_491 = arith.constant 31 : i32
    %mul3A_492 = arith.constant 3.125000e-02 : f32
    %mul3A_493 = vector.broadcast %mul3A_492 : f32 to vector<16xf32>
    %mul3A_494 = arith.mulf %scan3A_490#0, %mul3A_493 : vector<16xf32>
    %swap3A_495 = arith.constant 0 : index
    %swap3A_496 = tpu.vector_load %arg13[%swap3A_495] {strides = array<i32>} : memref<128xf32, #tpu.memory_space<vmem>>, vector<16xf32>,
    %swap3A_497 = vector.shape_cast %swap3A_496 : vector<16xf32> to vector<16xf32>
    %swap3A_498 = vector.shape_cast %mul3A_494 : vector<16xf32> to vector<16xf32>
    tpu.vector_store %arg13[%swap3A_495], %swap3A_498 {strides = array<i32>} : memref<128xf32, #tpu.memory_space<vmem>>, vector<16xf32>,
    %mul3A_499 = arith.constant 3.125000e-02 : f32
    %mul3A_500 = vector.broadcast %mul3A_499 : f32 to vector<16xf32>
    %mul3A_501 = arith.mulf %scan3A_490#1, %mul3A_500 : vector<16xf32>
    %swap3A_502 = arith.constant 16 : index
    %swap3A_503 = tpu.vector_load %arg13[%swap3A_502] {strides = array<i32>} : memref<128xf32, #tpu.memory_space<vmem>>, vector<16xf32>,
    %swap3A_504 = vector.shape_cast %swap3A_503 : vector<16xf32> to vector<16xf32>
    %swap3A_505 = vector.shape_cast %mul3A_501 : vector<16xf32> to vector<16xf32>
    tpu.vector_store %arg13[%swap3A_502], %swap3A_505 {strides = array<i32>} : memref<128xf32, #tpu.memory_space<vmem>>, vector<16xf32>,
    %mul3A_506 = arith.constant 3.125000e-02 : f32
    %mul3A_507 = vector.broadcast %mul3A_506 : f32 to vector<16xf32>
    %mul3A_508 = arith.mulf %scan3A_490#2, %mul3A_507 : vector<16xf32>
    %swap3A_509 = arith.constant 32 : index
    %swap3A_510 = tpu.vector_load %arg13[%swap3A_509] {strides = array<i32>} : memref<128xf32, #tpu.memory_space<vmem>>, vector<16xf32>,
    %swap3A_511 = vector.shape_cast %swap3A_510 : vector<16xf32> to vector<16xf32>
    %swap3A_512 = vector.shape_cast %mul3A_508 : vector<16xf32> to vector<16xf32>
    tpu.vector_store %arg13[%swap3A_509], %swap3A_512 {strides = array<i32>} : memref<128xf32, #tpu.memory_space<vmem>>, vector<16xf32>,
    %mul3A_513 = arith.constant 3.125000e-02 : f32
    %mul3A_514 = vector.broadcast %mul3A_513 : f32 to vector<16xf32>
    %mul3A_515 = arith.mulf %scan3A_490#3, %mul3A_514 : vector<16xf32>
    %swap3A_516 = arith.constant 48 : index
    %swap3A_517 = tpu.vector_load %arg13[%swap3A_516] {strides = array<i32>} : memref<128xf32, #tpu.memory_space<vmem>>, vector<16xf32>,
    %swap3A_518 = vector.shape_cast %swap3A_517 : vector<16xf32> to vector<16xf32>
    %swap3A_519 = vector.shape_cast %mul3A_515 : vector<16xf32> to vector<16xf32>
    tpu.vector_store %arg13[%swap3A_516], %swap3A_519 {strides = array<i32>} : memref<128xf32, #tpu.memory_space<vmem>>, vector<16xf32>,
    %mul3A_520 = arith.constant 3.125000e-02 : f32
    %mul3A_521 = vector.broadcast %mul3A_520 : f32 to vector<16xf32>
    %mul3A_522 = arith.mulf %scan3A_490#4, %mul3A_521 : vector<16xf32>
    %swap3A_523 = arith.constant 64 : index
    %swap3A_524 = tpu.vector_load %arg13[%swap3A_523] {strides = array<i32>} : memref<128xf32, #tpu.memory_space<vmem>>, vector<16xf32>,
    %swap3A_525 = vector.shape_cast %swap3A_524 : vector<16xf32> to vector<16xf32>
    %swap3A_526 = vector.shape_cast %mul3A_522 : vector<16xf32> to vector<16xf32>
    tpu.vector_store %arg13[%swap3A_523], %swap3A_526 {strides = array<i32>} : memref<128xf32, #tpu.memory_space<vmem>>, vector<16xf32>,
    %mul3A_527 = arith.constant 3.125000e-02 : f32
    %mul3A_528 = vector.broadcast %mul3A_527 : f32 to vector<16xf32>
    %mul3A_529 = arith.mulf %scan3A_490#5, %mul3A_528 : vector<16xf32>
    %swap3A_530 = arith.constant 80 : index
    %swap3A_531 = tpu.vector_load %arg13[%swap3A_530] {strides = array<i32>} : memref<128xf32, #tpu.memory_space<vmem>>, vector<16xf32>,
    %swap3A_532 = vector.shape_cast %swap3A_531 : vector<16xf32> to vector<16xf32>
    %swap3A_533 = vector.shape_cast %mul3A_529 : vector<16xf32> to vector<16xf32>
    tpu.vector_store %arg13[%swap3A_530], %swap3A_533 {strides = array<i32>} : memref<128xf32, #tpu.memory_space<vmem>>, vector<16xf32>,
    %mul3A_534 = arith.constant 3.125000e-02 : f32
    %mul3A_535 = vector.broadcast %mul3A_534 : f32 to vector<16xf32>
    %mul3A_536 = arith.mulf %scan3A_490#6, %mul3A_535 : vector<16xf32>
    %swap3A_537 = arith.constant 96 : index
    %swap3A_538 = tpu.vector_load %arg13[%swap3A_537] {strides = array<i32>} : memref<128xf32, #tpu.memory_space<vmem>>, vector<16xf32>,
    %swap3A_539 = vector.shape_cast %swap3A_538 : vector<16xf32> to vector<16xf32>
    %swap3A_540 = vector.shape_cast %mul3A_536 : vector<16xf32> to vector<16xf32>
    tpu.vector_store %arg13[%swap3A_537], %swap3A_540 {strides = array<i32>} : memref<128xf32, #tpu.memory_space<vmem>>, vector<16xf32>,
    %mul3A_541 = arith.constant 3.125000e-02 : f32
    %mul3A_542 = vector.broadcast %mul3A_541 : f32 to vector<16xf32>
    %mul3A_543 = arith.mulf %scan3A_490#7, %mul3A_542 : vector<16xf32>
    %swap3A_544 = arith.constant 112 : index
    %swap3A_545 = tpu.vector_load %arg13[%swap3A_544] {strides = array<i32>} : memref<128xf32, #tpu.memory_space<vmem>>, vector<16xf32>,
    %swap3A_546 = vector.shape_cast %swap3A_545 : vector<16xf32> to vector<16xf32>
    %swap3A_547 = vector.shape_cast %mul3A_543 : vector<16xf32> to vector<16xf32>
    tpu.vector_store %arg13[%swap3A_544], %swap3A_547 {strides = array<i32>} : memref<128xf32, #tpu.memory_space<vmem>>, vector<16xf32>,
    %add3A_548 = arith.constant 64 : i32
    %add3A_549 = arith.addi %add3A_548, %add3A_331 : i32
    "tpu.region"() ({
      %run_scoped3A = tpu.sem_alloc : memref<!tpu.dma_semaphore, #tpu.memory_space<semaphore_mem>>
      %dma_start3A_662 = arith.constant 0 : i32
      %dma_start3A_663 = tpu.memref_slice %arg8[%add3A_549, %dma_start3A_662] : memref<256x128xf32, #tpu.memory_space<hbm>> -> memref<1x128xf32, #tpu.memory_space<hbm>>
      %dma_start3A_664 = tpu.memref_squeeze %dma_start3A_663 : memref<1x128xf32, #tpu.memory_space<hbm>> -> memref<128xf32, #tpu.memory_space<hbm>>
      %dma_start3A_665 = arith.constant 0 : i32
      %dma_start3A_666 = tpu.memref_slice %arg8[%add3A_549, %dma_start3A_665] : memref<256x128xf32, #tpu.memory_space<hbm>> -> memref<1x128xf32, #tpu.memory_space<hbm>>
      %dma_start3A_667 = tpu.memref_squeeze %dma_start3A_666 : memref<1x128xf32, #tpu.memory_space<hbm>> -> memref<128xf32, #tpu.memory_space<hbm>>
      tpu.enqueue_dma source(%arg13 : memref<128xf32, #tpu.memory_space<vmem>>) target(%dma_start3A_667 : memref<128xf32, #tpu.memory_space<hbm>>) target_semaphore(%run_scoped3A : memref<!tpu.dma_semaphore, #tpu.memory_space<semaphore_mem>>)
      %dma_wait3A_668 = arith.constant 0 : i32
      %dma_wait3A_669 = tpu.memref_slice %arg8[%add3A_549, %dma_wait3A_668] : memref<256x128xf32, #tpu.memory_space<hbm>> -> memref<1x128xf32, #tpu.memory_space<hbm>>
      %dma_wait3A_670 = tpu.memref_squeeze %dma_wait3A_669 : memref<1x128xf32, #tpu.memory_space<hbm>> -> memref<128xf32, #tpu.memory_space<hbm>>
      %dma_wait3A_671 = arith.constant 0 : i32
      %dma_wait3A_672 = tpu.memref_slice %arg8[%add3A_549, %dma_wait3A_671] : memref<256x128xf32, #tpu.memory_space<hbm>> -> memref<1x128xf32, #tpu.memory_space<hbm>>
      %dma_wait3A_673 = tpu.memref_squeeze %dma_wait3A_672 : memref<1x128xf32, #tpu.memory_space<hbm>> -> memref<128xf32, #tpu.memory_space<hbm>>
      tpu.wait_dma2 semaphore(%run_scoped3A : memref<!tpu.dma_semaphore, #tpu.memory_space<semaphore_mem>>) src(%arg13 : memref<128xf32, #tpu.memory_space<vmem>>) dst(%dma_wait3A_673 : memref<128xf32, #tpu.memory_space<hbm>>)
      tpu.yield
    }) : () -> ()
    "tpu.region"() ({
      %run_scoped3A = tpu.sem_alloc : memref<!tpu.dma_semaphore, #tpu.memory_space<semaphore_mem>>
      %dma_start3A_662 = arith.constant 0 : i32
      %dma_start3A_663 = tpu.memref_slice %arg4[%add3A_331, %dma_start3A_662] : memref<64x16xi32, #tpu.memory_space<hbm>> -> memref<1x16xi32, #tpu.memory_space<hbm>>
      %dma_start3A_664 = tpu.memref_squeeze %dma_start3A_663 : memref<1x16xi32, #tpu.memory_space<hbm>> -> memref<16xi32, #tpu.memory_space<hbm>>
      %dma_start3A_665 = arith.constant 0 : i32
      %dma_start3A_666 = tpu.memref_slice %arg4[%add3A_331, %dma_start3A_665] : memref<64x16xi32, #tpu.memory_space<hbm>> -> memref<1x16xi32, #tpu.memory_space<hbm>>
      %dma_start3A_667 = tpu.memref_squeeze %dma_start3A_666 : memref<1x16xi32, #tpu.memory_space<hbm>> -> memref<16xi32, #tpu.memory_space<hbm>>
      tpu.enqueue_dma source(%dma_start3A_667 : memref<16xi32, #tpu.memory_space<hbm>>) target(%arg10 : memref<16xi32, #tpu.memory_space<vmem>>) target_semaphore(%run_scoped3A : memref<!tpu.dma_semaphore, #tpu.memory_space<semaphore_mem>>)
      %dma_wait3A_668 = arith.constant 0 : i32
      %dma_wait3A_669 = tpu.memref_slice %arg4[%add3A_331, %dma_wait3A_668] : memref<64x16xi32, #tpu.memory_space<hbm>> -> memref<1x16xi32, #tpu.memory_space<hbm>>
      %dma_wait3A_670 = tpu.memref_squeeze %dma_wait3A_669 : memref<1x16xi32, #tpu.memory_space<hbm>> -> memref<16xi32, #tpu.memory_space<hbm>>
      %dma_wait3A_671 = arith.constant 0 : i32
      %dma_wait3A_672 = tpu.memref_slice %arg4[%add3A_331, %dma_wait3A_671] : memref<64x16xi32, #tpu.memory_space<hbm>> -> memref<1x16xi32, #tpu.memory_space<hbm>>
      %dma_wait3A_673 = tpu.memref_squeeze %dma_wait3A_672 : memref<1x16xi32, #tpu.memory_space<hbm>> -> memref<16xi32, #tpu.memory_space<hbm>>
      tpu.wait_dma2 semaphore(%run_scoped3A : memref<!tpu.dma_semaphore, #tpu.memory_space<semaphore_mem>>) src(%dma_wait3A_673 : memref<16xi32, #tpu.memory_space<hbm>>) dst(%arg10 : memref<16xi32, #tpu.memory_space<vmem>>)
      tpu.yield
    }) : () -> ()
    %dma_start3A_550 = arith.constant 0 : i32
    %dma_start3A_551 = arith.constant 0 : i32
    %dma_start3A_552 = tpu.memref_slice %arg7[%dma_start3A_550, %dma_start3A_551] : memref<1000x128xf32, #tpu.memory_space<hbm>> -> memref<1000x128xf32, #tpu.memory_space<hbm>>
    tpu.enqueue_indirect_dma source(%dma_start3A_552 : memref<1000x128xf32, #tpu.memory_space<hbm>>) target(%arg12 : memref<16x128xf32, #tpu.memory_space<vmem>>) offsets(%arg10 : memref<16xi32, #tpu.memory_space<vmem>>) semaphore(%arg16 : memref<!tpu.dma_semaphore, #tpu.memory_space<semaphore_mem>>)
    %dma_wait3A_553 = arith.constant 0 : i32
    %dma_wait3A_554 = arith.constant 0 : i32
    %dma_wait3A_555 = tpu.memref_slice %arg7[%dma_wait3A_553, %dma_wait3A_554] : memref<1000x128xf32, #tpu.memory_space<hbm>> -> memref<1000x128xf32, #tpu.memory_space<hbm>>
    tpu.wait_indirect_dma semaphore(%arg16 : memref<!tpu.dma_semaphore, #tpu.memory_space<semaphore_mem>>) src(%dma_wait3A_555 : memref<1000x128xf32, #tpu.memory_space<hbm>>) dst(%arg12 : memref<16x128xf32, #tpu.memory_space<vmem>>)
    %get3A_556 = arith.constant 0 : i32
    %get3A_557 = arith.index_cast %get3A_556 : i32 to index
    %get3A_558 = arith.constant 0 : index
    %get3A_559 = tpu.vector_load %arg12[%get3A_557, %get3A_558] {strides = array<i32>} : memref<16x128xf32, #tpu.memory_space<vmem>>, vector<1x16xf32>,
    %get3A_560 = vector.shape_cast %get3A_559 : vector<1x16xf32> to vector<16xf32>
    %get3A_561 = arith.constant 0 : i32
    %get3A_562 = arith.index_cast %get3A_561 : i32 to index
    %get3A_563 = arith.constant 16 : index
    %get3A_564 = tpu.vector_load %arg12[%get3A_562, %get3A_563] {strides = array<i32>} : memref<16x128xf32, #tpu.memory_space<vmem>>, vector<1x16xf32>,
    %get3A_565 = vector.shape_cast %get3A_564 : vector<1x16xf32> to vector<16xf32>
    %get3A_566 = arith.constant 0 : i32
    %get3A_567 = arith.index_cast %get3A_566 : i32 to index
    %get3A_568 = arith.constant 32 : index
    %get3A_569 = tpu.vector_load %arg12[%get3A_567, %get3A_568] {strides = array<i32>} : memref<16x128xf32, #tpu.memory_space<vmem>>, vector<1x16xf32>,
    %get3A_570 = vector.shape_cast %get3A_569 : vector<1x16xf32> to vector<16xf32>
    %get3A_571 = arith.constant 0 : i32
    %get3A_572 = arith.index_cast %get3A_571 : i32 to index
    %get3A_573 = arith.constant 48 : index
    %get3A_574 = tpu.vector_load %arg12[%get3A_572, %get3A_573] {strides = array<i32>} : memref<16x128xf32, #tpu.memory_space<vmem>>, vector<1x16xf32>,
    %get3A_575 = vector.shape_cast %get3A_574 : vector<1x16xf32> to vector<16xf32>
    %get3A_576 = arith.constant 0 : i32
    %get3A_577 = arith.index_cast %get3A_576 : i32 to index
    %get3A_578 = arith.constant 64 : index
    %get3A_579 = tpu.vector_load %arg12[%get3A_577, %get3A_578] {strides = array<i32>} : memref<16x128xf32, #tpu.memory_space<vmem>>, vector<1x16xf32>,
    %get3A_580 = vector.shape_cast %get3A_579 : vector<1x16xf32> to vector<16xf32>
    %get3A_581 = arith.constant 0 : i32
    %get3A_582 = arith.index_cast %get3A_581 : i32 to index
    %get3A_583 = arith.constant 80 : index
    %get3A_584 = tpu.vector_load %arg12[%get3A_582, %get3A_583] {strides = array<i32>} : memref<16x128xf32, #tpu.memory_space<vmem>>, vector<1x16xf32>,
    %get3A_585 = vector.shape_cast %get3A_584 : vector<1x16xf32> to vector<16xf32>
    %get3A_586 = arith.constant 0 : i32
    %get3A_587 = arith.index_cast %get3A_586 : i32 to index
    %get3A_588 = arith.constant 96 : index
    %get3A_589 = tpu.vector_load %arg12[%get3A_587, %get3A_588] {strides = array<i32>} : memref<16x128xf32, #tpu.memory_space<vmem>>, vector<1x16xf32>,
    %get3A_590 = vector.shape_cast %get3A_589 : vector<1x16xf32> to vector<16xf32>
    %get3A_591 = arith.constant 0 : i32
    %get3A_592 = arith.index_cast %get3A_591 : i32 to index
    %get3A_593 = arith.constant 112 : index
    %get3A_594 = tpu.vector_load %arg12[%get3A_592, %get3A_593] {strides = array<i32>} : memref<16x128xf32, #tpu.memory_space<vmem>>, vector<1x16xf32>,
    %get3A_595 = vector.shape_cast %get3A_594 : vector<1x16xf32> to vector<16xf32>
    %scan3A_596 = arith.constant 1 : i32
    %scan3A_597 = arith.constant 15 : i32
    %scan3A_598 = arith.addi %scan3A_596, %scan3A_597 : i32
    %scan3A_599 = arith.constant 1 : i32
    %scan3A_600:8 = scf.for %scan3A_662 = %scan3A_596 to %scan3A_598 step %scan3A_599 iter_args(%scan3A_663 = %get3A_560, %scan3A_664 = %get3A_565, %scan3A_665 = %get3A_570, %scan3A_666 = %get3A_575, %scan3A_667 = %get3A_580, %scan3A_668 = %get3A_585, %scan3A_669 = %get3A_590, %scan3A_670 = %get3A_595) -> (vector<16xf32>, vector<16xf32>, vector<16xf32>, vector<16xf32>, vector<16xf32>, vector<16xf32>, vector<16xf32>, vector<16xf32>)  : i32 {
      %get3A_671 = arith.index_cast %scan3A_662 : i32 to index
      %get3A_672 = arith.constant 0 : index
      %get3A_673 = tpu.vector_load %arg12[%get3A_671, %get3A_672] {strides = array<i32>} : memref<16x128xf32, #tpu.memory_space<vmem>>, vector<1x16xf32>,
      %get3A_674 = vector.shape_cast %get3A_673 : vector<1x16xf32> to vector<16xf32>
      %add3A_675 = arith.addf %scan3A_663, %get3A_674 : vector<16xf32>
      %get3A_676 = arith.index_cast %scan3A_662 : i32 to index
      %get3A_677 = arith.constant 16 : index
      %get3A_678 = tpu.vector_load %arg12[%get3A_676, %get3A_677] {strides = array<i32>} : memref<16x128xf32, #tpu.memory_space<vmem>>, vector<1x16xf32>,
      %get3A_679 = vector.shape_cast %get3A_678 : vector<1x16xf32> to vector<16xf32>
      %add3A_680 = arith.addf %scan3A_664, %get3A_679 : vector<16xf32>
      %get3A_681 = arith.index_cast %scan3A_662 : i32 to index
      %get3A_682 = arith.constant 32 : index
      %get3A_683 = tpu.vector_load %arg12[%get3A_681, %get3A_682] {strides = array<i32>} : memref<16x128xf32, #tpu.memory_space<vmem>>, vector<1x16xf32>,
      %get3A_684 = vector.shape_cast %get3A_683 : vector<1x16xf32> to vector<16xf32>
      %add3A_685 = arith.addf %scan3A_665, %get3A_684 : vector<16xf32>
      %get3A_686 = arith.index_cast %scan3A_662 : i32 to index
      %get3A_687 = arith.constant 48 : index
      %get3A_688 = tpu.vector_load %arg12[%get3A_686, %get3A_687] {strides = array<i32>} : memref<16x128xf32, #tpu.memory_space<vmem>>, vector<1x16xf32>,
      %get3A_689 = vector.shape_cast %get3A_688 : vector<1x16xf32> to vector<16xf32>
      %add3A_690 = arith.addf %scan3A_666, %get3A_689 : vector<16xf32>
      %get3A_691 = arith.index_cast %scan3A_662 : i32 to index
      %get3A_692 = arith.constant 64 : index
      %get3A_693 = tpu.vector_load %arg12[%get3A_691, %get3A_692] {strides = array<i32>} : memref<16x128xf32, #tpu.memory_space<vmem>>, vector<1x16xf32>,
      %get3A_694 = vector.shape_cast %get3A_693 : vector<1x16xf32> to vector<16xf32>
      %add3A_695 = arith.addf %scan3A_667, %get3A_694 : vector<16xf32>
      %get3A_696 = arith.index_cast %scan3A_662 : i32 to index
      %get3A_697 = arith.constant 80 : index
      %get3A_698 = tpu.vector_load %arg12[%get3A_696, %get3A_697] {strides = array<i32>} : memref<16x128xf32, #tpu.memory_space<vmem>>, vector<1x16xf32>,
      %get3A_699 = vector.shape_cast %get3A_698 : vector<1x16xf32> to vector<16xf32>
      %add3A_700 = arith.addf %scan3A_668, %get3A_699 : vector<16xf32>
      %get3A_701 = arith.index_cast %scan3A_662 : i32 to index
      %get3A_702 = arith.constant 96 : index
      %get3A_703 = tpu.vector_load %arg12[%get3A_701, %get3A_702] {strides = array<i32>} : memref<16x128xf32, #tpu.memory_space<vmem>>, vector<1x16xf32>,
      %get3A_704 = vector.shape_cast %get3A_703 : vector<1x16xf32> to vector<16xf32>
      %add3A_705 = arith.addf %scan3A_669, %get3A_704 : vector<16xf32>
      %get3A_706 = arith.index_cast %scan3A_662 : i32 to index
      %get3A_707 = arith.constant 112 : index
      %get3A_708 = tpu.vector_load %arg12[%get3A_706, %get3A_707] {strides = array<i32>} : memref<16x128xf32, #tpu.memory_space<vmem>>, vector<1x16xf32>,
      %get3A_709 = vector.shape_cast %get3A_708 : vector<1x16xf32> to vector<16xf32>
      %add3A_710 = arith.addf %scan3A_670, %get3A_709 : vector<16xf32>
      scf.yield %add3A_675, %add3A_680, %add3A_685, %add3A_690, %add3A_695, %add3A_700, %add3A_705, %add3A_710 : vector<16xf32>, vector<16xf32>, vector<16xf32>, vector<16xf32>, vector<16xf32>, vector<16xf32>, vector<16xf32>, vector<16xf32>
    }
    %scan3A_601 = arith.constant 15 : i32
    %mul3A_602 = arith.constant 6.250000e-02 : f32
    %mul3A_603 = vector.broadcast %mul3A_602 : f32 to vector<16xf32>
    %mul3A_604 = arith.mulf %scan3A_600#0, %mul3A_603 : vector<16xf32>
    %swap3A_605 = arith.constant 0 : index
    %swap3A_606 = tpu.vector_load %arg13[%swap3A_605] {strides = array<i32>} : memref<128xf32, #tpu.memory_space<vmem>>, vector<16xf32>,
    %swap3A_607 = vector.shape_cast %swap3A_606 : vector<16xf32> to vector<16xf32>
    %swap3A_608 = vector.shape_cast %mul3A_604 : vector<16xf32> to vector<16xf32>
    tpu.vector_store %arg13[%swap3A_605], %swap3A_608 {strides = array<i32>} : memref<128xf32, #tpu.memory_space<vmem>>, vector<16xf32>,
    %mul3A_609 = arith.constant 6.250000e-02 : f32
    %mul3A_610 = vector.broadcast %mul3A_609 : f32 to vector<16xf32>
    %mul3A_611 = arith.mulf %scan3A_600#1, %mul3A_610 : vector<16xf32>
    %swap3A_612 = arith.constant 16 : index
    %swap3A_613 = tpu.vector_load %arg13[%swap3A_612] {strides = array<i32>} : memref<128xf32, #tpu.memory_space<vmem>>, vector<16xf32>,
    %swap3A_614 = vector.shape_cast %swap3A_613 : vector<16xf32> to vector<16xf32>
    %swap3A_615 = vector.shape_cast %mul3A_611 : vector<16xf32> to vector<16xf32>
    tpu.vector_store %arg13[%swap3A_612], %swap3A_615 {strides = array<i32>} : memref<128xf32, #tpu.memory_space<vmem>>, vector<16xf32>,
    %mul3A_616 = arith.constant 6.250000e-02 : f32
    %mul3A_617 = vector.broadcast %mul3A_616 : f32 to vector<16xf32>
    %mul3A_618 = arith.mulf %scan3A_600#2, %mul3A_617 : vector<16xf32>
    %swap3A_619 = arith.constant 32 : index
    %swap3A_620 = tpu.vector_load %arg13[%swap3A_619] {strides = array<i32>} : memref<128xf32, #tpu.memory_space<vmem>>, vector<16xf32>,
    %swap3A_621 = vector.shape_cast %swap3A_620 : vector<16xf32> to vector<16xf32>
    %swap3A_622 = vector.shape_cast %mul3A_618 : vector<16xf32> to vector<16xf32>
    tpu.vector_store %arg13[%swap3A_619], %swap3A_622 {strides = array<i32>} : memref<128xf32, #tpu.memory_space<vmem>>, vector<16xf32>,
    %mul3A_623 = arith.constant 6.250000e-02 : f32
    %mul3A_624 = vector.broadcast %mul3A_623 : f32 to vector<16xf32>
    %mul3A_625 = arith.mulf %scan3A_600#3, %mul3A_624 : vector<16xf32>
    %swap3A_626 = arith.constant 48 : index
    %swap3A_627 = tpu.vector_load %arg13[%swap3A_626] {strides = array<i32>} : memref<128xf32, #tpu.memory_space<vmem>>, vector<16xf32>,
    %swap3A_628 = vector.shape_cast %swap3A_627 : vector<16xf32> to vector<16xf32>
    %swap3A_629 = vector.shape_cast %mul3A_625 : vector<16xf32> to vector<16xf32>
    tpu.vector_store %arg13[%swap3A_626], %swap3A_629 {strides = array<i32>} : memref<128xf32, #tpu.memory_space<vmem>>, vector<16xf32>,
    %mul3A_630 = arith.constant 6.250000e-02 : f32
    %mul3A_631 = vector.broadcast %mul3A_630 : f32 to vector<16xf32>
    %mul3A_632 = arith.mulf %scan3A_600#4, %mul3A_631 : vector<16xf32>
    %swap3A_633 = arith.constant 64 : index
    %swap3A_634 = tpu.vector_load %arg13[%swap3A_633] {strides = array<i32>} : memref<128xf32, #tpu.memory_space<vmem>>, vector<16xf32>,
    %swap3A_635 = vector.shape_cast %swap3A_634 : vector<16xf32> to vector<16xf32>
    %swap3A_636 = vector.shape_cast %mul3A_632 : vector<16xf32> to vector<16xf32>
    tpu.vector_store %arg13[%swap3A_633], %swap3A_636 {strides = array<i32>} : memref<128xf32, #tpu.memory_space<vmem>>, vector<16xf32>,
    %mul3A_637 = arith.constant 6.250000e-02 : f32
    %mul3A_638 = vector.broadcast %mul3A_637 : f32 to vector<16xf32>
    %mul3A_639 = arith.mulf %scan3A_600#5, %mul3A_638 : vector<16xf32>
    %swap3A_640 = arith.constant 80 : index
    %swap3A_641 = tpu.vector_load %arg13[%swap3A_640] {strides = array<i32>} : memref<128xf32, #tpu.memory_space<vmem>>, vector<16xf32>,
    %swap3A_642 = vector.shape_cast %swap3A_641 : vector<16xf32> to vector<16xf32>
    %swap3A_643 = vector.shape_cast %mul3A_639 : vector<16xf32> to vector<16xf32>
    tpu.vector_store %arg13[%swap3A_640], %swap3A_643 {strides = array<i32>} : memref<128xf32, #tpu.memory_space<vmem>>, vector<16xf32>,
    %mul3A_644 = arith.constant 6.250000e-02 : f32
    %mul3A_645 = vector.broadcast %mul3A_644 : f32 to vector<16xf32>
    %mul3A_646 = arith.mulf %scan3A_600#6, %mul3A_645 : vector<16xf32>
    %swap3A_647 = arith.constant 96 : index
    %swap3A_648 = tpu.vector_load %arg13[%swap3A_647] {strides = array<i32>} : memref<128xf32, #tpu.memory_space<vmem>>, vector<16xf32>,
    %swap3A_649 = vector.shape_cast %swap3A_648 : vector<16xf32> to vector<16xf32>
    %swap3A_650 = vector.shape_cast %mul3A_646 : vector<16xf32> to vector<16xf32>
    tpu.vector_store %arg13[%swap3A_647], %swap3A_650 {strides = array<i32>} : memref<128xf32, #tpu.memory_space<vmem>>, vector<16xf32>,
    %mul3A_651 = arith.constant 6.250000e-02 : f32
    %mul3A_652 = vector.broadcast %mul3A_651 : f32 to vector<16xf32>
    %mul3A_653 = arith.mulf %scan3A_600#7, %mul3A_652 : vector<16xf32>
    %swap3A_654 = arith.constant 112 : index
    %swap3A_655 = tpu.vector_load %arg13[%swap3A_654] {strides = array<i32>} : memref<128xf32, #tpu.memory_space<vmem>>, vector<16xf32>,
    %swap3A_656 = vector.shape_cast %swap3A_655 : vector<16xf32> to vector<16xf32>
    %swap3A_657 = vector.shape_cast %mul3A_653 : vector<16xf32> to vector<16xf32>
    tpu.vector_store %arg13[%swap3A_654], %swap3A_657 {strides = array<i32>} : memref<128xf32, #tpu.memory_space<vmem>>, vector<16xf32>,
    %add3A_658 = arith.constant 128 : i32
    %add3A_659 = arith.addi %add3A_658, %add3A_331 : i32
    "tpu.region"() ({
      %run_scoped3A = tpu.sem_alloc : memref<!tpu.dma_semaphore, #tpu.memory_space<semaphore_mem>>
      %dma_start3A_662 = arith.constant 0 : i32
      %dma_start3A_663 = tpu.memref_slice %arg8[%add3A_659, %dma_start3A_662] : memref<256x128xf32, #tpu.memory_space<hbm>> -> memref<1x128xf32, #tpu.memory_space<hbm>>
      %dma_start3A_664 = tpu.memref_squeeze %dma_start3A_663 : memref<1x128xf32, #tpu.memory_space<hbm>> -> memref<128xf32, #tpu.memory_space<hbm>>
      %dma_start3A_665 = arith.constant 0 : i32
      %dma_start3A_666 = tpu.memref_slice %arg8[%add3A_659, %dma_start3A_665] : memref<256x128xf32, #tpu.memory_space<hbm>> -> memref<1x128xf32, #tpu.memory_space<hbm>>
      %dma_start3A_667 = tpu.memref_squeeze %dma_start3A_666 : memref<1x128xf32, #tpu.memory_space<hbm>> -> memref<128xf32, #tpu.memory_space<hbm>>
      tpu.enqueue_dma source(%arg13 : memref<128xf32, #tpu.memory_space<vmem>>) target(%dma_start3A_667 : memref<128xf32, #tpu.memory_space<hbm>>) target_semaphore(%run_scoped3A : memref<!tpu.dma_semaphore, #tpu.memory_space<semaphore_mem>>)
      %dma_wait3A_668 = arith.constant 0 : i32
      %dma_wait3A_669 = tpu.memref_slice %arg8[%add3A_659, %dma_wait3A_668] : memref<256x128xf32, #tpu.memory_space<hbm>> -> memref<1x128xf32, #tpu.memory_space<hbm>>
      %dma_wait3A_670 = tpu.memref_squeeze %dma_wait3A_669 : memref<1x128xf32, #tpu.memory_space<hbm>> -> memref<128xf32, #tpu.memory_space<hbm>>
      %dma_wait3A_671 = arith.constant 0 : i32
      %dma_wait3A_672 = tpu.memref_slice %arg8[%add3A_659, %dma_wait3A_671] : memref<256x128xf32, #tpu.memory_space<hbm>> -> memref<1x128xf32, #tpu.memory_space<hbm>>
      %dma_wait3A_673 = tpu.memref_squeeze %dma_wait3A_672 : memref<1x128xf32, #tpu.memory_space<hbm>> -> memref<128xf32, #tpu.memory_space<hbm>>
      tpu.wait_dma2 semaphore(%run_scoped3A : memref<!tpu.dma_semaphore, #tpu.memory_space<semaphore_mem>>) src(%arg13 : memref<128xf32, #tpu.memory_space<vmem>>) dst(%dma_wait3A_673 : memref<128xf32, #tpu.memory_space<hbm>>)
      tpu.yield
    }) : () -> ()
    %lt3A = arith.constant 8 : i32
    %lt3A_660 = arith.cmpi slt, %add3A, %lt3A : i32
    %convert_element_type3A = arith.extui %lt3A_660 : i1 to i32
    %cond3A = arith.constant 0 : i32
    %cond3A_661 = arith.cmpi ne, %convert_element_type3A, %cond3A : i32
    scf.if %cond3A_661 {
      %mul3A_662 = arith.constant 8 : i32
      %mul3A_663 = arith.muli %add3A, %mul3A_662 : i32
      "tpu.region"() ({
        %run_scoped3A = tpu.sem_alloc : memref<!tpu.dma_semaphore, #tpu.memory_space<semaphore_mem>>
        %dma_start3A_674 = tpu.memref_slice %arg5[%mul3A_663] : memref<64xi32, #tpu.memory_space<hbm>> -> memref<8xi32, #tpu.memory_space<hbm>>
        %dma_start3A_675 = tpu.memref_slice %arg5[%mul3A_663] : memref<64xi32, #tpu.memory_space<hbm>> -> memref<8xi32, #tpu.memory_space<hbm>>
        tpu.enqueue_dma source(%dma_start3A_675 : memref<8xi32, #tpu.memory_space<hbm>>) target(%arg14 : memref<8xi32, #tpu.memory_space<vmem>>) target_semaphore(%run_scoped3A : memref<!tpu.dma_semaphore, #tpu.memory_space<semaphore_mem>>)
        %dma_wait3A_676 = tpu.memref_slice %arg5[%mul3A_663] : memref<64xi32, #tpu.memory_space<hbm>> -> memref<8xi32, #tpu.memory_space<hbm>>
        %dma_wait3A_677 = tpu.memref_slice %arg5[%mul3A_663] : memref<64xi32, #tpu.memory_space<hbm>> -> memref<8xi32, #tpu.memory_space<hbm>>
        tpu.wait_dma2 semaphore(%run_scoped3A : memref<!tpu.dma_semaphore, #tpu.memory_space<semaphore_mem>>) src(%dma_wait3A_677 : memref<8xi32, #tpu.memory_space<hbm>>) dst(%arg14 : memref<8xi32, #tpu.memory_space<vmem>>)
        tpu.yield
      }) : () -> ()
      %dma_start3A_664 = arith.constant 0 : i32
      %dma_start3A_665 = arith.constant 0 : i32
      %dma_start3A_666 = tpu.memref_slice %arg6[%dma_start3A_664, %dma_start3A_665] : memref<100000x128xf32, #tpu.memory_space<hbm>> -> memref<100000x128xf32, #tpu.memory_space<hbm>>
      tpu.enqueue_indirect_dma source(%dma_start3A_666 : memref<100000x128xf32, #tpu.memory_space<hbm>>) target(%arg15 : memref<8x128xf32, #tpu.memory_space<vmem>>) offsets(%arg14 : memref<8xi32, #tpu.memory_space<vmem>>) semaphore(%arg16 : memref<!tpu.dma_semaphore, #tpu.memory_space<semaphore_mem>>)
      %dma_wait3A_667 = arith.constant 0 : i32
      %dma_wait3A_668 = arith.constant 0 : i32
      %dma_wait3A_669 = tpu.memref_slice %arg6[%dma_wait3A_667, %dma_wait3A_668] : memref<100000x128xf32, #tpu.memory_space<hbm>> -> memref<100000x128xf32, #tpu.memory_space<hbm>>
      tpu.wait_indirect_dma semaphore(%arg16 : memref<!tpu.dma_semaphore, #tpu.memory_space<semaphore_mem>>) src(%dma_wait3A_669 : memref<100000x128xf32, #tpu.memory_space<hbm>>) dst(%arg15 : memref<8x128xf32, #tpu.memory_space<vmem>>)
      %mul3A_670 = arith.constant 8 : i32
      %mul3A_671 = arith.muli %add3A, %mul3A_670 : i32
      %add3A_672 = arith.constant 192 : i32
      %add3A_673 = arith.addi %add3A_672, %mul3A_671 : i32
      "tpu.region"() ({
        %run_scoped3A = tpu.sem_alloc : memref<!tpu.dma_semaphore, #tpu.memory_space<semaphore_mem>>
        %dma_start3A_674 = arith.constant 0 : i32
        %dma_start3A_675 = tpu.memref_slice %arg8[%add3A_673, %dma_start3A_674] : memref<256x128xf32, #tpu.memory_space<hbm>> -> memref<8x128xf32, #tpu.memory_space<hbm>>
        %dma_start3A_676 = arith.constant 0 : i32
        %dma_start3A_677 = tpu.memref_slice %arg8[%add3A_673, %dma_start3A_676] : memref<256x128xf32, #tpu.memory_space<hbm>> -> memref<8x128xf32, #tpu.memory_space<hbm>>
        tpu.enqueue_dma source(%arg15 : memref<8x128xf32, #tpu.memory_space<vmem>>) target(%dma_start3A_677 : memref<8x128xf32, #tpu.memory_space<hbm>>) target_semaphore(%run_scoped3A : memref<!tpu.dma_semaphore, #tpu.memory_space<semaphore_mem>>)
        %dma_wait3A_678 = arith.constant 0 : i32
        %dma_wait3A_679 = tpu.memref_slice %arg8[%add3A_673, %dma_wait3A_678] : memref<256x128xf32, #tpu.memory_space<hbm>> -> memref<8x128xf32, #tpu.memory_space<hbm>>
        %dma_wait3A_680 = arith.constant 0 : i32
        %dma_wait3A_681 = tpu.memref_slice %arg8[%add3A_673, %dma_wait3A_680] : memref<256x128xf32, #tpu.memory_space<hbm>> -> memref<8x128xf32, #tpu.memory_space<hbm>>
        tpu.wait_dma2 semaphore(%run_scoped3A : memref<!tpu.dma_semaphore, #tpu.memory_space<semaphore_mem>>) src(%arg15 : memref<8x128xf32, #tpu.memory_space<vmem>>) dst(%dma_wait3A_681 : memref<8x128xf32, #tpu.memory_space<hbm>>)
        tpu.yield
      }) : () -> ()
    } else {
    }
    return
  }
}

</mosaic_0001>

<sc_bundles>
// kernel: _sc_gather.3.cloned.1.call-start
scs
__scs_entry_jumppad:
0x0: {  	(pc) =	sbr.rel $0x88, $3  }
0x1: {  	(tag) =	ssettag $0x0;
	lr =	simm.s32 $0x1  }
0x2: {  	[smem:$0x3F9B] =	sst lr;
	_ =	strace $0xD0000000  }
0x3: {  	_ = 	snop  }
0x4: {  	_ = 	snop  }
0x5: {  	_ = 	snop  }
0x6: {  	_ = 	snop  }
0x7: {  	_ = 	snop  }
__scs_overlays_trampoline_lowered:
0x8: {  	[smem:$0x3FAA] =	sst s0  }
0x9: {  	[smem:$0x3FAB] =	sst s1  }
0xa: {  	[smem:$0x3FAC] =	sst s2  }
0xb: {  	[smem:$0x3FAD] =	sst s3  }
0xc: {  	[smem:$0x3FAE] =	sst s4  }
0xd: {  	[smem:$0x3FAF] =	sst s5  }
0xe: {  	[smem:$0x3FB0] =	sst s6  }
0xf: {  	[smem:$0x3FB1] =	sst s7  }
0x10: {  	[smem:$0x3FB2] =	sst s8  }
0x11: {  	[smem:$0x3FB3] =	sst s9;
	s0 =	simm.s32 @!p0 $0x0  }
0x12: {  	s1 =	sld [smem:$0x3F99];
	s0 =	simm.s32 @p0 $0x1  }
0x13: {  	[smem:$0x3FB4] =	sst s0;
	s0 =	simm.s32 @!p1 $0x0  }
0x14: {  	s2 =	sld [smem:$0x3F98];
	s0 =	simm.s32 @p1 $0x1  }
0x15: {  	[smem:$0x3FB5] =	sst s0;
	s0 =	simm.s32 @!p2 $0x0  }
0x16: {  	s3 =	sld [smem:$0x3FDB];
	s0 =	simm.s32 @p2 $0x1  }
0x17: {  	s4 =	simm.s32 $0x1BF5;
	[smem:$0x3FB7] =	sst s0  }
0x18: {  	s0 =	sld [smem:$0x3F9A];
	_ =	swait.ge [sflag:s4], $0x0  }
0x19: {  	s7 =	sld [smem:$0x3F9B]  }
0x1a: {  	s8 =	sadd.s32 $0xFFFFE003, lr  }
0x1b: {  	s9 =	sadd.s32 $0xFFFFFEF7, lr;
	s5 =	simm.s32 $0xFFFFFFFF;
	p2 =	slt.u32 s8, $0xFFFFF086  }
0x1c: {  	p1 =	slt.u32 s9, $0xF7A;
	s5 =	simm.s32 @!p2 $0x0  }
0x1d: {  	s5 =	simm.s32 @p1 $0x1;
	p0 =	seq.s32 s7, s2  }
0x1e: {  	s7 =	smul.u32 @!p0 $0xF7A, s2;
	p2 =	seq.s32 @!p0 s5, $0x0  }
0x1f: {  	s9 =	smul.u32 $0xF7A, s1;
	s8 =	simm.s32 @!p0 $0x1BF5;
	p2 =	por !p2, p0  }
0x20: {  	[sflag:s8] =	ssyncset.s32 @!p0 $0xFFFFF086;
	s6 =	sadd.s32 @!p0 s3, s7;
	s7 =	simm.s32 @!p0 $0x108  }
0x21: {  	s3 =	sadd.s32 s3, s9;
	s6 =	sadd.s32 @!p0 $0x88, s6;
	s7 =	simm.s32 @p2 $0x1082  }
0x22: {  	[simem:s7], [sflag:s8] =	dma.local @!p0 [hbm:s6], $0xF7A  }
0x23: {  	s9 =	sor.u32 $0xD0000000, s2;
	s6 =	simm.s32 $0x108;
	_ =	swait.ge @!p0 [sflag:s8], $0x0  }
0x24: {  	s3 =	sadd.s32 $0x88, s3;
	s6 =	simm.s32 @!p1 $0x1082;
	[sflag:s4] =	ssyncset.s32 $0xFFFFF086  }
0x25: {  	[simem:s6], [sflag:s4] =	dma.local [hbm:s3], $0xF7A  }
0x26: {  	[smem:$0x3F9B] =	sst s1;
	(tag) =	ssettag s2;
	_ =	strace s9  }
0x27: {  	s1 =	sld [smem:$0x3FAB]  }
0x28: {  	s2 =	sld [smem:$0x3FAC]  }
0x29: {  	s4 =	sld [smem:$0x3FAE]  }
0x2a: {  	p0 =	seq.s32 s5, $0x0;
	s5 =	sld [smem:$0x3FAF]  }
0x2b: {  	s6 =	sld [smem:$0x3FB0]  }
0x2c: {  	s7 =	sld [smem:$0x3FB1]  }
0x2d: {  	s3 =	simm.s32 $0x108;
	s8 =	sld [smem:$0x3FB2]  }
0x2e: {  	s3 =	simm.s32 @!p0 $0x1082;
	s9 =	sld [smem:$0x3FB3]  }
0x2f: {  	lr =	sadd.s32 s0, s3;
	s0 =	sld [smem:$0x3FAA]  }
0x30: {  	s3 =	sld [smem:$0x3FAD]  }
0x31: {  	[smem:$0x3FB6] =	sst s10  }
0x32: {  	s10 =	sld [smem:$0x3FB4];
	_ =	sdelay $0x3  }
0x33: {  	p0 =	seq.s32 s10, $0x1;
	s10 =	sld [smem:$0x3FB6];
	_ =	sdelay $0x3  }
0x34: {  	[smem:$0x3FB6] =	sst s10  }
0x35: {  	s10 =	sld [smem:$0x3FB5];
	_ =	sdelay $0x3  }
0x36: {  	p1 =	seq.s32 s10, $0x1;
	s10 =	sld [smem:$0x3FB6];
	_ =	sdelay $0x3  }
0x37: {  	[smem:$0x3FB6] =	sst s10  }
0x38: {  	s10 =	sld [smem:$0x3FB7]  }
0x39: {  	_ = 	snop;
	(pc) =	sbr.ind lr, $3  }
0x3a: {  	_ = 	snop  }
0x3b: {  	_ = 	snop  }
0x3c: {  	p2 =	seq.s32 s10, $0x1;
	s10 =	sld [smem:$0x3FB6]  }
0x3d: {  	_ =	shalt  }
0x3e: {  	_ =	shalt  }
0x3f: {  	_ =	shalt  }
0x40: {  	_ =	shalt  }
0x41: {  	_ =	shalt  }
0x42: {  	_ =	shalt  }
0x43: {  	_ =	shalt  }
0x44: {  	_ =	shalt  }
0x45: {  	_ =	shalt  }
0x46: {  	_ =	shalt  }
0x47: {  	_ =	shalt  }
0x48: {  	_ =	shalt  }
0x49: {  	_ =	shalt  }
0x4a: {  	_ =	shalt  }
0x4b: {  	_ =	shalt  }
0x4c: {  	_ =	shalt  }
0x4d: {  	_ =	shalt  }
0x4e: {  	_ =	shalt  }
0x4f: {  	_ =	shalt  }
0x50: {  	_ =	shalt  }
0x51: {  	_ =	shalt  }
0x52: {  	_ =	shalt  }
0x53: {  	_ =	shalt  }
0x54: {  	_ =	shalt  }
0x55: {  	_ =	shalt  }
0x56: {  	_ =	shalt  }
0x57: {  	_ =	shalt  }
0x58: {  	_ =	shalt  }
0x59: {  	_ =	shalt  }
0x5a: {  	_ =	shalt  }
0x5b: {  	_ =	shalt  }
0x5c: {  	_ =	shalt  }
0x5d: {  	_ =	shalt  }
0x5e: {  	_ =	shalt  }
0x5f: {  	_ =	shalt  }
0x60: {  	_ =	shalt  }
0x61: {  	_ =	shalt  }
0x62: {  	_ =	shalt  }
0x63: {  	_ =	shalt  }
0x64: {  	_ =	shalt  }
0x65: {  	_ =	shalt  }
0x66: {  	_ =	shalt  }
0x67: {  	_ =	shalt  }
0x68: {  	_ =	shalt  }
0x69: {  	_ =	shalt  }
0x6a: {  	_ =	shalt  }
0x6b: {  	_ =	shalt  }
0x6c: {  	_ =	shalt  }
0x6d: {  	_ =	shalt  }
0x6e: {  	_ =	shalt  }
0x6f: {  	_ =	shalt  }
0x70: {  	_ =	shalt  }
0x71: {  	_ =	shalt  }
0x72: {  	_ =	shalt  }
0x73: {  	_ =	shalt  }
0x74: {  	_ =	shalt  }
0x75: {  	_ =	shalt  }
0x76: {  	_ =	shalt  }
0x77: {  	_ =	shalt  }
0x78: {  	_ =	shalt  }
0x79: {  	_ =	shalt  }
0x7a: {  	_ =	shalt  }
0x7b: {  	_ =	shalt  }
0x7c: {  	_ =	shalt  }
0x7d: {  	_ =	shalt  }
0x7e: {  	_ =	shalt  }
0x7f: {  	_ =	shalt  }
0x80: {  	_ =	shalt  }
0x81: {  	_ =	shalt  }
0x82: {  	_ =	shalt  }
0x83: {  	_ =	shalt  }
0x84: {  	_ =	shalt  }
0x85: {  	_ =	shalt  }
0x86: {  	_ =	shalt  }
0x87: {  	_ =	shalt  }
.Lfunc_end0:
.L_simem_size_0:
called_computation_lowered:
.L_overlay_start_0:
0x88: {  	s2 =	sld [smem:$0x3FD9]  }
0x89: {  	s3 =	sld [smem:$0x3FFE];
	_ =	sdelay $0x1  }
0x8a: {  	s1 =	srdreg.scid  }
0x8b: {  	s0 =	sand.u32 $0x1, s1  }
0x8c: {  	s17 =	sshll.u32 s0, $0xA;
	s2 =	sadd.s32 s3, s2  }
0x8d: {  	s2 =	sadd.s32 s2, s17  }
0x8e: {  	[smem:$0x3FC2] =	sst s2  }
0x8f: {  	_ = 	snop  }
0x90: {  	s2 =	sld [smem:$0x3FC6]  }
0x91: {  	s18 =	sld [smem:$0x3FC5]  }
0x92: {  	s4 =	sld [smem:$0x3FC4]  }
0x93: {  	s5 =	sld [smem:$0x3FD0];
	(tm) =	ssettm $0x1  }
0x94: {  	s6 =	sld [smem:$0x3FFB];
	_ =	sdelay $0x3  }
0x95: {  	_ =	strace s6  }
0x96: {  	s6 =	sld [smem:$0x3FFC];
	_ =	sdelay $0x3  }
0x97: {  	_ =	strace s6  }
0x98: {  	s6 =	sld [smem:$0x3FFD];
	_ =	sdelay $0x3  }
0x99: {  	_ =	strace s6  }
0x9a: {  	_ =	strace $0x8FFFFFFF  }
0x9b: {  	s19 =	sld [smem:$0x3FDB];
	_ =	sdelay $0x1  }
0x9c: {  	s7 =	simm.s32 $_scs_section_size  }
0x9d: {  	s8 =	simm.s32 $_size__tile_overlayer_lowered;
	s9 =	simm.s32 $_tile_overlayer_lowered  }
0x9e: {  	s22 =	simm.s32 $0x1BFF;
	s21 =	sshll.u32 s9, $0x1;
	s6 =	sadd.s32 s7, s19  }
0x9f: {  	s10 =	simm.s32 $0x0;
	s20 =	sshll.u32 s8, $0x1;
	s8 =	sadd.s32 s21, s6  }
0xa0: {  	[timem:s10], [sflag:s22] =	dma.local [hbm:s8], s20  }
0xa1: {  	_ =	swait.ge [sflag:s22], s20  }
0xa2: {  	s7 =	ssub.s32 $0x0, s20;
	[sflag:s22] =	ssyncset.done $0x0  }
0xa3: {  	[sflag:s22] =	ssyncadd.s32 s7;
	_ =	sdelay $0x1  }
0xa4: {  	s23 =	simm.s32 $0x1B8B  }
0xa5: {  	_ =	swait.ge [sflag:s23], $0x1  }
0xa6: {  	[sflag:s23] =	ssyncset.done $0x0  }
0xa7: {  	s25 =	simm.s32 $0x1B8E;
	s24 =	sld [smem:$0x3FFE];
	[sflag:s23] =	ssyncadd.s32 $0xFFFFFFFF  }
0xa8: {  	s26 =	simm.s32 $execute0_lowered;
	[smem:$0x3FD2] =	sst s25  }
0xa9: {  	s8 =	sshll.u32 s26, $0x1;
	_ =	strace $0x80000046;
	[dreg:$0x1] =	wrdreg $0xFFFFFFFF  }
0xaa: {  	s28 =	simm.s32 $_size_execute0_lowered;
	s6 =	sadd.s32 s6, s8;
	[dreg:$0x0] =	wrdreg $0x0  }
0xab: {  	s8 =	sshll.u32 s28, $0x1;
	[dreg:$0x2] =	wrdreg s6  }
0xac: {  	[dreg:$0x3] =	wrdreg s8  }
0xad: {  	[dreg:$0x4] =	wrdreg $0xC0  }
0xae: {  	_ =	task [dreg:s10], $0x5FFFF  }
0xaf: {  	[dreg:$0x1] =	wrdreg $0xFFFFFFFF  }
0xb0: {  	[dreg:$0x0] =	wrdreg $0x60  }
0xb1: {  	[dreg:$0x2] =	wrdreg s24  }
0xb2: {  	[dreg:$0x3] =	wrdreg s2  }
0xb3: {  	[dreg:$0x4] =	wrdreg s18  }
0xb4: {  	[dreg:$0x5] =	wrdreg s4  }
0xb5: {  	[dreg:$0x6] =	wrdreg s5  }
0xb6: {  	[dreg:$0x7] =	wrdreg $0x9  }
0xb7: {  	_ =	task.clear_ibuf [dreg:s10], $0x8FFFF;
	_ =	strace $0x90000046  }
0xb8: {  	s29 =	simm.s32 $0x9;
	_ =	strace $0x80000048  }
0xb9: {  	_ =	swait.ge [sflag:s29], $0x1  }
0xba: {  	[sflag:s29] =	ssyncadd.s32 $0xFFFFFFFF  }
0xbb: {  	_ =	strace $0x90000048  }
0xbc: {  	_ =	sfence  }
0xbd: {  	s30 =	sld [smem:$0x0];
	_ =	sdelay $0x2  }
0xbe: {  	s31 =	sshll.u32 s1, $0xD;
	s1 =	sshrl.u32 s1, $0x2  }
0xbf: {  	s3 =	sand.u32 $0x4000, s31;
	s1 =	sadd.s32 s1, s30  }
0xc0: {  	s0 =	sor.u32 s3, s0;
	s1 =	sshll.u32 s1, $0x11  }
0xc1: {  	s0 =	sor.u32 s1, s0  }
0xc2: {  	s0 =	sadd.s32 $0x8F2B, s0  }
0xc3: {  	[sflag:s0] =	ssyncadd.remote.s32 $0x1  }
0xc4: {  	_ =	sfence.sel $0xFFFF  }
0xc5: {  	[dreg:$0x0] =	wrdreg $0xFFFFFFFF;
	(pc) =	sbr.abs _section_cstart, $3  }
0xc6: {  	[dreg:$0x1] =	wrdreg $0xFFFFFFFF  }
0xc7: {  	_ =	task.clear_ibuf [dreg:s10], $0x2FFFF;
	_ =	strace $0x9FFFFFFF  }
0xc8: {  	(tm) =	ssettm $0x7FFFFFFF  }
0xc9: {  	_ =	shalt  }
tec
execute0_lowered:
.L_overlay_start_1:
0x0: {  	(tag) =	ssettag $0x1  }
0x1: {  	s5 =	rddreg [dreg:$0x0]  }
0x2: {  	s17 =	rddreg [dreg:$0x1]  }
0x3: {  	s1 =	rddreg [dreg:$0x2]  }
0x4: {  	s2 =	rddreg [dreg:$0x3]  }
0x5: {  	s18 =	rddreg [dreg:$0x4];
	s4 =	simm.s32 $0x0;
	s6 =	srdreg.scid  }
0x6: {  	s0 =	stileid.u32;
	s22 =	simm.s32 $0x100;
	s23 =	simm.s32 $0x1  }
0x7: {  	s24 =	simm.s32 $0x1900;
	s25 =	simm.s32 $0x80;
	s26 =	simm.s32 $0x10  }
0x8: {  	s28 =	simm.s32 $0x1100;
	s29 =	simm.s32 $0x0;
	[smem:$0x7FF] =	sst s4  }
0x9: {  	s6 =	sand.u32 $0x1, s6;
	s7 =	sshll.u32 s0, $0x1;
	s11 =	sadd.s32 $0x400, s5  }
0xa: {  	s13 =	sadd.s32 $0x800, s5;
	s15 =	sadd.s32 $0xC00, s5;
	p0 =	sgt.u32 s0, $0x3  }
0xb: {  	_ =	strace $0x80000047;
	s8 =	ssub.s32 $0x2, s6;
	s19 =	sor.u32 s6, s7  }
0xc: {  	s31 =	sshrl.u32 s8, $0x1;
	s12 =	sshll.u32 s19, $0x5;
	s21 =	sshll.u32 s19, $0x7  }
0xd: {  	s17 =	sadd.s32 s17, s19;
	s20 =	ssub.s32 s8, s31;
	s5 =	sadd.s32 s18, s12  }
0xe: {  	s3 =	sadd.s32 s11, s12;
	s7 =	sadd.s32 s13, s12;
	s9 =	sadd.s32 s15, s12  }
0xf: {  	s16 =	sor.u32 $0x10, s12;
	[dreg:$0x6] =	wrdreg s3;
	s8 =	sadd.s32 $0x400, s5  }
0x10: {  	s10 =	sadd.s32 $0x800, s5;
	s11 =	sadd.s32 s11, s16;
	s12 =	sadd.s32 s18, s16  }
0x11: {  	s13 =	sadd.s32 s13, s16;
	s14 =	sadd.s32 $0x410, s5;
	s15 =	sadd.s32 s15, s16  }
0x12: {  	s16 =	sadd.s32 $0x810, s5;
	s18 =	sadd.s32 s21, s18;
	s19 =	smax.u32 s20, $0x1  }
0x13: {  	s20 =	simm.s32 $0x2;
	s21 =	simm.s32 $0x20;
	s18 =	sadd.s32 $0xC00, s18  }
.LBB2_1:
0x14: {  	s0 =	rddreg [dreg:$0x6]  }
0x15: {  	[tilespmem:s4], [sflag:$0x2] =	stream.linear.gather [hbm4b:s0+s4], $0x80, $0x38;
	[tilespmem:$0x1E00] =	vst v63  }
0x16: {  	_ =	swait.ge [sflag:s20], $0x80  }
0x17: {  	[sflag:s20] =	ssyncset.done $0x0  }
0x18: {  	[sflag:s20] =	ssyncadd.s32 $0xFFFFFF80  }
0x19: {  	[tilespmem:s22], [sflag:$0x1] =	stream.indirect.gather [hbm4b:s1+s21], $0x80, s4, s21, $0xb8;
	[tilespmem:$0x1E00] =	vst v63  }
0x1a: {  	_ =	swait.ge [sflag:s23], $0x1000  }
0x1b: {  	[sflag:s23] =	ssyncset.done $0x0  }
0x1c: {  	[sflag:s23] =	ssyncadd.s32 $0xFFFFF000  }
0x1d: {  	v8 =	vld [tilespmem:$0x100]  }
0x1e: {  	v9 =	vld [tilespmem:$0x110]  }
0x1f: {  	v5 =	vld [tilespmem:$0x120]  }
0x20: {  	v4 =	vld [tilespmem:$0x130]  }
0x21: {  	v3 =	vld [tilespmem:$0x140]  }
0x22: {  	v2 =	vld [tilespmem:$0x150]  }
0x23: {  	v1 =	vld [tilespmem:$0x160]  }
0x24: {  	s6 =	simm.s32 $0x0;
	v0 =	vld [tilespmem:$0x170]  }
0x25: {  	v6 =	vld [tilespmem:s6+$0x1F0]  }
0x26: {  	v10 =	vld [tilespmem:s6+$0x180]  }
0x27: {  	v13 =	vld [tilespmem:s6+$0x190]  }
0x28: {  	v12 =	vld [tilespmem:s6+$0x1A0]  }
0x29: {  	v11 =	vld [tilespmem:s6+$0x1B0]  }
0x2a: {  	v7 =	vld [tilespmem:s6+$0x1C0]  }
0x2b: {  	v0 =	vadd.f32 v6, v0;
	v6 =	vld [tilespmem:s6+$0x1D0]  }
0x2c: {  	s30 =	simm.s32 $0x80;
	s31 =	simm.s32 $0x400;
	v8 =	vadd.f32 v10, v8;
	v9 =	vadd.f32 v13, v9;
	v10 =	vld [tilespmem:s6+$0x1E0]  }
.LBB2_2:
0x2d: {  	p1 =	sne.s32 s31, $0x3C00;
	v13 =	vld [tilespmem:s30+$0x1F0];
	v5 =	vadd.f32 v12, v5  }
0x2e: {  	v14 =	vld [tilespmem:s30+$0x180];
	v4 =	vadd.f32 v11, v4  }
0x2f: {  	v15 =	vld [tilespmem:s30+$0x190];
	v3 =	vadd.f32 v7, v3  }
.Ltmp0:
0x30: {  	v12 =	vld [tilespmem:s30+$0x1A0];
	v2 =	vadd.f32 v6, v2;
	(pc) =	sbr.rel @p1 .LBB2_2-.Ltmp0, $4  }
0x31: {  	v11 =	vld [tilespmem:s30+$0x1B0];
	v1 =	vadd.f32 v10, v1  }
0x32: {  	v7 =	vld [tilespmem:s30+$0x1C0];
	v0 =	vadd.f32 v13, v0  }
0x33: {  	v8 =	vadd.f32 v14, v8;
	v6 =	vld [tilespmem:s30+$0x1D0]  }
0x34: {  	v9 =	vadd.f32 v15, v9;
	v10 =	vld [tilespmem:s30+$0x1E0];
	s30 =	sshra.s32 s31, $0x2;
	s31 =	sadd.s32 $0x200, s31  }
0x35: {  	v13 =	vld [tilespmem:s30+$0x180]  }
0x36: {  	v14 =	vld [tilespmem:s30+$0x190]  }
0x37: {  	v15 =	vld [tilespmem:s30+$0x1A0]  }
0x38: {  	v16 =	vld [tilespmem:s30+$0x1B0]  }
0x39: {  	v17 =	vld [tilespmem:s30+$0x1C0]  }
0x3a: {  	v5 =	vadd.f32 v12, v5;
	v12 =	vld [tilespmem:s30+$0x1D0];
	v8 =	vadd.f32 v13, v8  }
0x3b: {  	v4 =	vadd.f32 v11, v4;
	v11 =	vld [tilespmem:s30+$0x1E0];
	v9 =	vadd.f32 v14, v9  }
0x3c: {  	v3 =	vadd.f32 v7, v3;
	v7 =	vld [tilespmem:s30+$0x1F0];
	v5 =	vadd.f32 v15, v5;
	v8 =	vmul.f32 $3.125000000e-02, v8  }
0x3d: {  	v2 =	vadd.f32 v6, v2;
	v4 =	vadd.f32 v16, v4;
	v6 =	vmul.f32 $3.125000000e-02, v9  }
0x3e: {  	v1 =	vadd.f32 v10, v1;
	v3 =	vadd.f32 v17, v3;
	v5 =	vmul.f32 $3.125000000e-02, v5;
	[tilespmem:$0x1900] =	vst v8  }
0x3f: {  	v2 =	vadd.f32 v12, v2;
	v4 =	vmul.f32 $3.125000000e-02, v4;
	[tilespmem:$0x1910] =	vst v6  }
0x40: {  	v1 =	vadd.f32 v11, v1;
	v3 =	vmul.f32 $3.125000000e-02, v3;
	[tilespmem:$0x1920] =	vst v5  }
0x41: {  	v0 =	vadd.f32 v7, v0;
	v2 =	vmul.f32 $3.125000000e-02, v2;
	[tilespmem:$0x1930] =	vst v4  }
0x42: {  	v1 =	vmul.f32 $3.125000000e-02, v1;
	[tilespmem:$0x1940] =	vst v3  }
0x43: {  	[tilespmem:$0x1950] =	vst v2;
	v0 =	vmul.f32 $3.125000000e-02, v0  }
0x44: {  	[tilespmem:$0x1960] =	vst v1  }
0x45: {  	s0 =	simm.s32 $0x0;
	[tilespmem:$0x1970] =	vst v0  }
0x46: {  	[hbm4b:s5+s0] =	stream.linear.scatter [tilespmem:s24], [sflag:$0x2], $0x80, $0x38;
	[tilespmem:$0x1E00] =	vst v63  }
0x47: {  	_ =	swait.ge [sflag:s20], $0x80  }
0x48: {  	[sflag:s20] =	ssyncset.done $0x0  }
0x49: {  	[sflag:s20] =	ssyncadd.s32 $0xFFFFFF80  }
0x4a: {  	[tilespmem:s0], [sflag:$0x2] =	stream.linear.gather [hbm4b:s7+s0], $0x80, $0x38;
	[tilespmem:$0x1E00] =	vst v63  }
0x4b: {  	_ =	swait.ge [sflag:s20], $0x80  }
0x4c: {  	[sflag:s20] =	ssyncset.done $0x0  }
0x4d: {  	[sflag:s20] =	ssyncadd.s32 $0xFFFFFF80  }
0x4e: {  	[tilespmem:s22], [sflag:$0x1] =	stream.indirect.gather [hbm4b:s1+s21], $0x80, s0, s21, $0xb8;
	[tilespmem:$0x1E00] =	vst v63  }
0x4f: {  	_ =	swait.ge [sflag:s23], $0x1000  }
0x50: {  	[sflag:s23] =	ssyncset.done $0x0  }
0x51: {  	[sflag:s23] =	ssyncadd.s32 $0xFFFFF000  }
0x52: {  	v8 =	vld [tilespmem:$0x100]  }
0x53: {  	v9 =	vld [tilespmem:$0x110]  }
0x54: {  	v5 =	vld [tilespmem:$0x120]  }
0x55: {  	v4 =	vld [tilespmem:$0x130]  }
0x56: {  	v3 =	vld [tilespmem:$0x140]  }
0x57: {  	v2 =	vld [tilespmem:$0x150]  }
0x58: {  	v1 =	vld [tilespmem:$0x160]  }
0x59: {  	s6 =	simm.s32 $0x0;
	v0 =	vld [tilespmem:$0x170]  }
0x5a: {  	v6 =	vld [tilespmem:s6+$0x1F0]  }
0x5b: {  	v10 =	vld [tilespmem:s6+$0x180]  }
0x5c: {  	v13 =	vld [tilespmem:s6+$0x190]  }
0x5d: {  	v12 =	vld [tilespmem:s6+$0x1A0]  }
0x5e: {  	v11 =	vld [tilespmem:s6+$0x1B0]  }
0x5f: {  	v7 =	vld [tilespmem:s6+$0x1C0]  }
0x60: {  	v0 =	vadd.f32 v6, v0;
	v6 =	vld [tilespmem:s6+$0x1D0]  }
0x61: {  	s31 =	simm.s32 $0x400;
	s30 =	simm.s32 $0x80;
	v8 =	vadd.f32 v10, v8;
	v9 =	vadd.f32 v13, v9;
	v10 =	vld [tilespmem:s6+$0x1E0]  }
.LBB2_4:
0x62: {  	p1 =	sne.s32 s31, $0x3C00;
	v13 =	vld [tilespmem:s30+$0x1F0];
	v5 =	vadd.f32 v12, v5  }
0x63: {  	v14 =	vld [tilespmem:s30+$0x180];
	v4 =	vadd.f32 v11, v4  }
0x64: {  	v15 =	vld [tilespmem:s30+$0x190];
	v3 =	vadd.f32 v7, v3  }
.Ltmp1:
0x65: {  	v12 =	vld [tilespmem:s30+$0x1A0];
	v2 =	vadd.f32 v6, v2;
	(pc) =	sbr.rel @p1 .LBB2_4-.Ltmp1, $4  }
0x66: {  	v11 =	vld [tilespmem:s30+$0x1B0];
	v1 =	vadd.f32 v10, v1  }
0x67: {  	v7 =	vld [tilespmem:s30+$0x1C0];
	v0 =	vadd.f32 v13, v0  }
0x68: {  	v8 =	vadd.f32 v14, v8;
	v6 =	vld [tilespmem:s30+$0x1D0]  }
0x69: {  	v9 =	vadd.f32 v15, v9;
	v10 =	vld [tilespmem:s30+$0x1E0];
	s30 =	sshra.s32 s31, $0x2;
	s31 =	sadd.s32 $0x200, s31  }
0x6a: {  	v13 =	vld [tilespmem:s30+$0x180]  }
0x6b: {  	v14 =	vld [tilespmem:s30+$0x190]  }
0x6c: {  	v15 =	vld [tilespmem:s30+$0x1A0]  }
0x6d: {  	v16 =	vld [tilespmem:s30+$0x1B0]  }
0x6e: {  	v17 =	vld [tilespmem:s30+$0x1C0]  }
0x6f: {  	v5 =	vadd.f32 v12, v5;
	v12 =	vld [tilespmem:s30+$0x1D0];
	v8 =	vadd.f32 v13, v8  }
0x70: {  	v4 =	vadd.f32 v11, v4;
	v11 =	vld [tilespmem:s30+$0x1E0];
	v9 =	vadd.f32 v14, v9  }
0x71: {  	v3 =	vadd.f32 v7, v3;
	v7 =	vld [tilespmem:s30+$0x1F0];
	v5 =	vadd.f32 v15, v5;
	v8 =	vmul.f32 $3.125000000e-02, v8  }
0x72: {  	v2 =	vadd.f32 v6, v2;
	v4 =	vadd.f32 v16, v4;
	v6 =	vmul.f32 $3.125000000e-02, v9  }
0x73: {  	v1 =	vadd.f32 v10, v1;
	v3 =	vadd.f32 v17, v3;
	v5 =	vmul.f32 $3.125000000e-02, v5;
	[tilespmem:$0x1900] =	vst v8  }
0x74: {  	v2 =	vadd.f32 v12, v2;
	v4 =	vmul.f32 $3.125000000e-02, v4;
	[tilespmem:$0x1910] =	vst v6  }
0x75: {  	v1 =	vadd.f32 v11, v1;
	v3 =	vmul.f32 $3.125000000e-02, v3;
	[tilespmem:$0x1920] =	vst v5  }
0x76: {  	v0 =	vadd.f32 v7, v0;
	v2 =	vmul.f32 $3.125000000e-02, v2;
	[tilespmem:$0x1930] =	vst v4  }
0x77: {  	v1 =	vmul.f32 $3.125000000e-02, v1;
	[tilespmem:$0x1940] =	vst v3  }
0x78: {  	[tilespmem:$0x1950] =	vst v2;
	v0 =	vmul.f32 $3.125000000e-02, v0  }
0x79: {  	[tilespmem:$0x1960] =	vst v1  }
0x7a: {  	s0 =	simm.s32 $0x0;
	[tilespmem:$0x1970] =	vst v0  }
0x7b: {  	[hbm4b:s8+s0] =	stream.linear.scatter [tilespmem:s24], [sflag:$0x2], $0x80, $0x38;
	[tilespmem:$0x1E00] =	vst v63  }
0x7c: {  	_ =	swait.ge [sflag:s20], $0x80  }
0x7d: {  	[sflag:s20] =	ssyncset.done $0x0  }
0x7e: {  	[sflag:s20] =	ssyncadd.s32 $0xFFFFFF80  }
0x7f: {  	[tilespmem:s25], [sflag:$0x2] =	stream.linear.gather [hbm4b:s9+s0], $0x80, $0x38;
	[tilespmem:$0x1E00] =	vst v63  }
0x80: {  	_ =	swait.ge [sflag:s20], $0x80  }
0x81: {  	[sflag:s20] =	ssyncset.done $0x0  }
0x82: {  	[sflag:s20] =	ssyncadd.s32 $0xFFFFFF80  }
0x83: {  	[tilespmem:s28], [sflag:$0x1] =	stream.indirect.gather [hbm4b:s2+s26], $0x80, s25, s26, $0xb8;
	[tilespmem:$0x1E00] =	vst v63  }
0x84: {  	_ =	swait.ge [sflag:s23], $0x800  }
0x85: {  	[sflag:s23] =	ssyncset.done $0x0  }
0x86: {  	[sflag:s23] =	ssyncadd.s32 $0xFFFFF800  }
0x87: {  	v8 =	vld [tilespmem:$0x1100]  }
0x88: {  	v9 =	vld [tilespmem:$0x1110]  }
0x89: {  	v5 =	vld [tilespmem:$0x1120]  }
0x8a: {  	v4 =	vld [tilespmem:$0x1130]  }
0x8b: {  	v3 =	vld [tilespmem:$0x1140]  }
0x8c: {  	v2 =	vld [tilespmem:$0x1150]  }
0x8d: {  	v1 =	vld [tilespmem:$0x1160]  }
0x8e: {  	s6 =	simm.s32 $0x0;
	v0 =	vld [tilespmem:$0x1170]  }
0x8f: {  	v6 =	vld [tilespmem:s6+$0x11F0]  }
0x90: {  	v10 =	vld [tilespmem:s6+$0x1180]  }
0x91: {  	v13 =	vld [tilespmem:s6+$0x1190]  }
0x92: {  	v12 =	vld [tilespmem:s6+$0x11A0]  }
0x93: {  	v11 =	vld [tilespmem:s6+$0x11B0]  }
0x94: {  	v7 =	vld [tilespmem:s6+$0x11C0]  }
0x95: {  	v0 =	vadd.f32 v6, v0;
	v6 =	vld [tilespmem:s6+$0x11D0]  }
0x96: {  	s31 =	simm.s32 $0x400;
	s30 =	simm.s32 $0x80;
	v8 =	vadd.f32 v10, v8;
	v9 =	vadd.f32 v13, v9;
	v10 =	vld [tilespmem:s6+$0x11E0]  }
.LBB2_6:
0x97: {  	p1 =	sne.s32 s31, $0x1C00;
	v13 =	vld [tilespmem:s30+$0x11F0];
	v5 =	vadd.f32 v12, v5  }
0x98: {  	v14 =	vld [tilespmem:s30+$0x1180];
	v4 =	vadd.f32 v11, v4  }
0x99: {  	v15 =	vld [tilespmem:s30+$0x1190];
	v3 =	vadd.f32 v7, v3  }
.Ltmp2:
0x9a: {  	v12 =	vld [tilespmem:s30+$0x11A0];
	v2 =	vadd.f32 v6, v2;
	(pc) =	sbr.rel @p1 .LBB2_6-.Ltmp2, $4  }
0x9b: {  	v11 =	vld [tilespmem:s30+$0x11B0];
	v1 =	vadd.f32 v10, v1  }
0x9c: {  	v7 =	vld [tilespmem:s30+$0x11C0];
	v0 =	vadd.f32 v13, v0  }
0x9d: {  	v8 =	vadd.f32 v14, v8;
	v6 =	vld [tilespmem:s30+$0x11D0]  }
0x9e: {  	v9 =	vadd.f32 v15, v9;
	v10 =	vld [tilespmem:s30+$0x11E0];
	s30 =	sshra.s32 s31, $0x2;
	s31 =	sadd.s32 $0x200, s31  }
0x9f: {  	v13 =	vld [tilespmem:s30+$0x1180]  }
0xa0: {  	v14 =	vld [tilespmem:s30+$0x1190]  }
0xa1: {  	v15 =	vld [tilespmem:s30+$0x11A0]  }
0xa2: {  	v16 =	vld [tilespmem:s30+$0x11B0]  }
0xa3: {  	v17 =	vld [tilespmem:s30+$0x11C0]  }
0xa4: {  	v5 =	vadd.f32 v12, v5;
	v12 =	vld [tilespmem:s30+$0x11D0];
	v8 =	vadd.f32 v13, v8  }
0xa5: {  	v4 =	vadd.f32 v11, v4;
	v11 =	vld [tilespmem:s30+$0x11E0];
	v9 =	vadd.f32 v14, v9  }
0xa6: {  	v3 =	vadd.f32 v7, v3;
	v7 =	vld [tilespmem:s30+$0x11F0];
	v5 =	vadd.f32 v15, v5;
	v8 =	vmul.f32 $6.250000000e-02, v8  }
0xa7: {  	v2 =	vadd.f32 v6, v2;
	v4 =	vadd.f32 v16, v4;
	v6 =	vmul.f32 $6.250000000e-02, v9  }
0xa8: {  	v1 =	vadd.f32 v10, v1;
	v3 =	vadd.f32 v17, v3;
	v5 =	vmul.f32 $6.250000000e-02, v5;
	[tilespmem:$0x1900] =	vst v8  }
0xa9: {  	v2 =	vadd.f32 v12, v2;
	v4 =	vmul.f32 $6.250000000e-02, v4;
	[tilespmem:$0x1910] =	vst v6  }
0xaa: {  	v1 =	vadd.f32 v11, v1;
	v3 =	vmul.f32 $6.250000000e-02, v3;
	[tilespmem:$0x1920] =	vst v5  }
0xab: {  	v0 =	vadd.f32 v7, v0;
	v2 =	vmul.f32 $6.250000000e-02, v2;
	[tilespmem:$0x1930] =	vst v4  }
0xac: {  	v1 =	vmul.f32 $6.250000000e-02, v1;
	[tilespmem:$0x1940] =	vst v3  }
0xad: {  	[tilespmem:$0x1950] =	vst v2;
	v0 =	vmul.f32 $6.250000000e-02, v0  }
0xae: {  	[tilespmem:$0x1960] =	vst v1  }
0xaf: {  	s0 =	simm.s32 $0x0;
	[tilespmem:$0x1970] =	vst v0  }
0xb0: {  	[hbm4b:s10+s0] =	stream.linear.scatter [tilespmem:s24], [sflag:$0x2], $0x80, $0x38;
	[tilespmem:$0x1E00] =	vst v63  }
0xb1: {  	_ =	swait.ge [sflag:s20], $0x80  }
0xb2: {  	[sflag:s20] =	ssyncset.done $0x0  }
0xb3: {  	[sflag:s20] =	ssyncadd.s32 $0xFFFFFF80  }
0xb4: {  	[tilespmem:s0], [sflag:$0x2] =	stream.linear.gather [hbm4b:s11+s0], $0x80, $0x38;
	[tilespmem:$0x1E00] =	vst v63  }
0xb5: {  	_ =	swait.ge [sflag:s20], $0x80  }
0xb6: {  	[sflag:s20] =	ssyncset.done $0x0  }
0xb7: {  	[sflag:s20] =	ssyncadd.s32 $0xFFFFFF80  }
0xb8: {  	[tilespmem:s22], [sflag:$0x1] =	stream.indirect.gather [hbm4b:s1+s21], $0x80, s0, s21, $0xb8;
	[tilespmem:$0x1E00] =	vst v63  }
0xb9: {  	_ =	swait.ge [sflag:s23], $0x1000  }
0xba: {  	[sflag:s23] =	ssyncset.done $0x0  }
0xbb: {  	[sflag:s23] =	ssyncadd.s32 $0xFFFFF000  }
0xbc: {  	v8 =	vld [tilespmem:$0x100]  }
0xbd: {  	v9 =	vld [tilespmem:$0x110]  }
0xbe: {  	v5 =	vld [tilespmem:$0x120]  }
0xbf: {  	v4 =	vld [tilespmem:$0x130]  }
0xc0: {  	v3 =	vld [tilespmem:$0x140]  }
0xc1: {  	v2 =	vld [tilespmem:$0x150]  }
0xc2: {  	v1 =	vld [tilespmem:$0x160]  }
0xc3: {  	s6 =	simm.s32 $0x0;
	v0 =	vld [tilespmem:$0x170]  }
0xc4: {  	v6 =	vld [tilespmem:s6+$0x1F0]  }
0xc5: {  	v10 =	vld [tilespmem:s6+$0x180]  }
0xc6: {  	v13 =	vld [tilespmem:s6+$0x190]  }
0xc7: {  	v12 =	vld [tilespmem:s6+$0x1A0]  }
0xc8: {  	v11 =	vld [tilespmem:s6+$0x1B0]  }
0xc9: {  	v7 =	vld [tilespmem:s6+$0x1C0]  }
0xca: {  	v0 =	vadd.f32 v6, v0;
	v6 =	vld [tilespmem:s6+$0x1D0]  }
0xcb: {  	s31 =	simm.s32 $0x400;
	s30 =	simm.s32 $0x80;
	v8 =	vadd.f32 v10, v8;
	v9 =	vadd.f32 v13, v9;
	v10 =	vld [tilespmem:s6+$0x1E0]  }
.LBB2_8:
0xcc: {  	p1 =	sne.s32 s31, $0x3C00;
	v13 =	vld [tilespmem:s30+$0x1F0];
	v5 =	vadd.f32 v12, v5  }
0xcd: {  	v14 =	vld [tilespmem:s30+$0x180];
	v4 =	vadd.f32 v11, v4  }
0xce: {  	v15 =	vld [tilespmem:s30+$0x190];
	v3 =	vadd.f32 v7, v3  }
.Ltmp3:
0xcf: {  	v12 =	vld [tilespmem:s30+$0x1A0];
	v2 =	vadd.f32 v6, v2;
	(pc) =	sbr.rel @p1 .LBB2_8-.Ltmp3, $4  }
0xd0: {  	v11 =	vld [tilespmem:s30+$0x1B0];
	v1 =	vadd.f32 v10, v1  }
0xd1: {  	v7 =	vld [tilespmem:s30+$0x1C0];
	v0 =	vadd.f32 v13, v0  }
0xd2: {  	v8 =	vadd.f32 v14, v8;
	v6 =	vld [tilespmem:s30+$0x1D0]  }
0xd3: {  	v9 =	vadd.f32 v15, v9;
	v10 =	vld [tilespmem:s30+$0x1E0];
	s30 =	sshra.s32 s31, $0x2;
	s31 =	sadd.s32 $0x200, s31  }
0xd4: {  	v13 =	vld [tilespmem:s30+$0x180]  }
0xd5: {  	v14 =	vld [tilespmem:s30+$0x190]  }
0xd6: {  	v15 =	vld [tilespmem:s30+$0x1A0]  }
0xd7: {  	v16 =	vld [tilespmem:s30+$0x1B0]  }
0xd8: {  	v17 =	vld [tilespmem:s30+$0x1C0]  }
0xd9: {  	v5 =	vadd.f32 v12, v5;
	v12 =	vld [tilespmem:s30+$0x1D0];
	v8 =	vadd.f32 v13, v8  }
0xda: {  	v4 =	vadd.f32 v11, v4;
	v11 =	vld [tilespmem:s30+$0x1E0];
	v9 =	vadd.f32 v14, v9  }
0xdb: {  	v3 =	vadd.f32 v7, v3;
	v7 =	vld [tilespmem:s30+$0x1F0];
	v5 =	vadd.f32 v15, v5;
	v8 =	vmul.f32 $3.125000000e-02, v8  }
0xdc: {  	v2 =	vadd.f32 v6, v2;
	v4 =	vadd.f32 v16, v4;
	v6 =	vmul.f32 $3.125000000e-02, v9  }
0xdd: {  	v1 =	vadd.f32 v10, v1;
	v3 =	vadd.f32 v17, v3;
	v5 =	vmul.f32 $3.125000000e-02, v5;
	[tilespmem:$0x1900] =	vst v8  }
0xde: {  	v2 =	vadd.f32 v12, v2;
	v4 =	vmul.f32 $3.125000000e-02, v4;
	[tilespmem:$0x1910] =	vst v6  }
0xdf: {  	v1 =	vadd.f32 v11, v1;
	v3 =	vmul.f32 $3.125000000e-02, v3;
	[tilespmem:$0x1920] =	vst v5  }
0xe0: {  	v0 =	vadd.f32 v7, v0;
	v2 =	vmul.f32 $3.125000000e-02, v2;
	[tilespmem:$0x1930] =	vst v4  }
0xe1: {  	v1 =	vmul.f32 $3.125000000e-02, v1;
	[tilespmem:$0x1940] =	vst v3  }
0xe2: {  	[tilespmem:$0x1950] =	vst v2;
	v0 =	vmul.f32 $3.125000000e-02, v0  }
0xe3: {  	[tilespmem:$0x1960] =	vst v1  }
0xe4: {  	s0 =	simm.s32 $0x0;
	[tilespmem:$0x1970] =	vst v0  }
0xe5: {  	[hbm4b:s12+s0] =	stream.linear.scatter [tilespmem:s24], [sflag:$0x2], $0x80, $0x38;
	[tilespmem:$0x1E00] =	vst v63  }
0xe6: {  	_ =	swait.ge [sflag:s20], $0x80  }
0xe7: {  	[sflag:s20] =	ssyncset.done $0x0  }
0xe8: {  	[sflag:s20] =	ssyncadd.s32 $0xFFFFFF80  }
0xe9: {  	[tilespmem:s0], [sflag:$0x2] =	stream.linear.gather [hbm4b:s13+s0], $0x80, $0x38;
	[tilespmem:$0x1E00] =	vst v63  }
0xea: {  	_ =	swait.ge [sflag:s20], $0x80  }
0xeb: {  	[sflag:s20] =	ssyncset.done $0x0  }
0xec: {  	[sflag:s20] =	ssyncadd.s32 $0xFFFFFF80  }
0xed: {  	[tilespmem:s22], [sflag:$0x1] =	stream.indirect.gather [hbm4b:s1+s21], $0x80, s0, s21, $0xb8;
	[tilespmem:$0x1E00] =	vst v63  }
0xee: {  	_ =	swait.ge [sflag:s23], $0x1000  }
0xef: {  	[sflag:s23] =	ssyncset.done $0x0  }
0xf0: {  	[sflag:s23] =	ssyncadd.s32 $0xFFFFF000  }
0xf1: {  	v8 =	vld [tilespmem:$0x100]  }
0xf2: {  	v9 =	vld [tilespmem:$0x110]  }
0xf3: {  	v5 =	vld [tilespmem:$0x120]  }
0xf4: {  	v4 =	vld [tilespmem:$0x130]  }
0xf5: {  	v3 =	vld [tilespmem:$0x140]  }
0xf6: {  	v2 =	vld [tilespmem:$0x150]  }
0xf7: {  	v1 =	vld [tilespmem:$0x160]  }
0xf8: {  	s6 =	simm.s32 $0x0;
	v0 =	vld [tilespmem:$0x170]  }
0xf9: {  	v6 =	vld [tilespmem:s6+$0x1F0]  }
0xfa: {  	v10 =	vld [tilespmem:s6+$0x180]  }
0xfb: {  	v13 =	vld [tilespmem:s6+$0x190]  }
0xfc: {  	v12 =	vld [tilespmem:s6+$0x1A0]  }
0xfd: {  	v11 =	vld [tilespmem:s6+$0x1B0]  }
0xfe: {  	v7 =	vld [tilespmem:s6+$0x1C0]  }
0xff: {  	v0 =	vadd.f32 v6, v0;
	v6 =	vld [tilespmem:s6+$0x1D0]  }
0x100: {  	s31 =	simm.s32 $0x400;
	s30 =	simm.s32 $0x80;
	v8 =	vadd.f32 v10, v8;
	v9 =	vadd.f32 v13, v9;
	v10 =	vld [tilespmem:s6+$0x1E0]  }
.LBB2_10:
0x101: {  	p1 =	sne.s32 s31, $0x3C00;
	v13 =	vld [tilespmem:s30+$0x1F0];
	v5 =	vadd.f32 v12, v5  }
0x102: {  	v14 =	vld [tilespmem:s30+$0x180];
	v4 =	vadd.f32 v11, v4  }
0x103: {  	v15 =	vld [tilespmem:s30+$0x190];
	v3 =	vadd.f32 v7, v3  }
.Ltmp4:
0x104: {  	v12 =	vld [tilespmem:s30+$0x1A0];
	v2 =	vadd.f32 v6, v2;
	(pc) =	sbr.rel @p1 .LBB2_10-.Ltmp4, $4  }
0x105: {  	v11 =	vld [tilespmem:s30+$0x1B0];
	v1 =	vadd.f32 v10, v1  }
0x106: {  	v7 =	vld [tilespmem:s30+$0x1C0];
	v0 =	vadd.f32 v13, v0  }
0x107: {  	v8 =	vadd.f32 v14, v8;
	v6 =	vld [tilespmem:s30+$0x1D0]  }
0x108: {  	v9 =	vadd.f32 v15, v9;
	v10 =	vld [tilespmem:s30+$0x1E0];
	s30 =	sshra.s32 s31, $0x2;
	s31 =	sadd.s32 $0x200, s31  }
0x109: {  	v13 =	vld [tilespmem:s30+$0x180]  }
0x10a: {  	v14 =	vld [tilespmem:s30+$0x190]  }
0x10b: {  	v15 =	vld [tilespmem:s30+$0x1A0]  }
0x10c: {  	v16 =	vld [tilespmem:s30+$0x1B0]  }
0x10d: {  	v17 =	vld [tilespmem:s30+$0x1C0]  }
0x10e: {  	v5 =	vadd.f32 v12, v5;
	v12 =	vld [tilespmem:s30+$0x1D0];
	v8 =	vadd.f32 v13, v8  }
0x10f: {  	v4 =	vadd.f32 v11, v4;
	v11 =	vld [tilespmem:s30+$0x1E0];
	v9 =	vadd.f32 v14, v9  }
0x110: {  	v3 =	vadd.f32 v7, v3;
	v7 =	vld [tilespmem:s30+$0x1F0];
	v5 =	vadd.f32 v15, v5;
	v8 =	vmul.f32 $3.125000000e-02, v8  }
0x111: {  	v2 =	vadd.f32 v6, v2;
	v4 =	vadd.f32 v16, v4;
	v6 =	vmul.f32 $3.125000000e-02, v9  }
0x112: {  	v1 =	vadd.f32 v10, v1;
	v3 =	vadd.f32 v17, v3;
	v5 =	vmul.f32 $3.125000000e-02, v5;
	[tilespmem:$0x1900] =	vst v8  }
0x113: {  	v2 =	vadd.f32 v12, v2;
	v4 =	vmul.f32 $3.125000000e-02, v4;
	[tilespmem:$0x1910] =	vst v6  }
0x114: {  	v1 =	vadd.f32 v11, v1;
	v3 =	vmul.f32 $3.125000000e-02, v3;
	[tilespmem:$0x1920] =	vst v5  }
0x115: {  	v0 =	vadd.f32 v7, v0;
	v2 =	vmul.f32 $3.125000000e-02, v2;
	[tilespmem:$0x1930] =	vst v4  }
0x116: {  	v1 =	vmul.f32 $3.125000000e-02, v1;
	[tilespmem:$0x1940] =	vst v3  }
0x117: {  	[tilespmem:$0x1950] =	vst v2;
	v0 =	vmul.f32 $3.125000000e-02, v0  }
0x118: {  	[tilespmem:$0x1960] =	vst v1  }
0x119: {  	s0 =	simm.s32 $0x0;
	[tilespmem:$0x1970] =	vst v0  }
0x11a: {  	[hbm4b:s14+s0] =	stream.linear.scatter [tilespmem:s24], [sflag:$0x2], $0x80, $0x38;
	[tilespmem:$0x1E00] =	vst v63  }
0x11b: {  	_ =	swait.ge [sflag:s20], $0x80  }
0x11c: {  	[sflag:s20] =	ssyncset.done $0x0  }
0x11d: {  	[sflag:s20] =	ssyncadd.s32 $0xFFFFFF80  }
0x11e: {  	[tilespmem:s25], [sflag:$0x2] =	stream.linear.gather [hbm4b:s15+s0], $0x80, $0x38;
	[tilespmem:$0x1E00] =	vst v63  }
0x11f: {  	_ =	swait.ge [sflag:s20], $0x80  }
0x120: {  	[sflag:s20] =	ssyncset.done $0x0  }
0x121: {  	[sflag:s20] =	ssyncadd.s32 $0xFFFFFF80  }
0x122: {  	[tilespmem:s28], [sflag:$0x1] =	stream.indirect.gather [hbm4b:s2+s26], $0x80, s25, s26, $0xb8;
	[tilespmem:$0x1E00] =	vst v63  }
0x123: {  	_ =	swait.ge [sflag:s23], $0x800  }
0x124: {  	[sflag:s23] =	ssyncset.done $0x0  }
0x125: {  	[sflag:s23] =	ssyncadd.s32 $0xFFFFF800  }
0x126: {  	v8 =	vld [tilespmem:$0x1100]  }
0x127: {  	v9 =	vld [tilespmem:$0x1110]  }
0x128: {  	v5 =	vld [tilespmem:$0x1120]  }
0x129: {  	v4 =	vld [tilespmem:$0x1130]  }
0x12a: {  	v3 =	vld [tilespmem:$0x1140]  }
0x12b: {  	v2 =	vld [tilespmem:$0x1150]  }
0x12c: {  	v1 =	vld [tilespmem:$0x1160]  }
0x12d: {  	s3 =	simm.s32 $0x0;
	v0 =	vld [tilespmem:$0x1170]  }
0x12e: {  	v6 =	vld [tilespmem:s3+$0x11F0]  }
0x12f: {  	v10 =	vld [tilespmem:s3+$0x1180]  }
0x130: {  	v13 =	vld [tilespmem:s3+$0x1190]  }
0x131: {  	v12 =	vld [tilespmem:s3+$0x11A0]  }
0x132: {  	v11 =	vld [tilespmem:s3+$0x11B0]  }
0x133: {  	v7 =	vld [tilespmem:s3+$0x11C0]  }
0x134: {  	v0 =	vadd.f32 v6, v0;
	v6 =	vld [tilespmem:s3+$0x11D0]  }
0x135: {  	s6 =	smov.u32 s2;
	s31 =	simm.s32 $0x400;
	s30 =	simm.s32 $0x80;
	v8 =	vadd.f32 v10, v8;
	v9 =	vadd.f32 v13, v9;
	v10 =	vld [tilespmem:s3+$0x11E0]  }
.LBB2_12:
0x136: {  	p1 =	sne.s32 s31, $0x1C00;
	v13 =	vld [tilespmem:s30+$0x11F0];
	v5 =	vadd.f32 v12, v5  }
0x137: {  	v14 =	vld [tilespmem:s30+$0x1180];
	v4 =	vadd.f32 v11, v4  }
0x138: {  	v15 =	vld [tilespmem:s30+$0x1190];
	v3 =	vadd.f32 v7, v3  }
.Ltmp5:
0x139: {  	v12 =	vld [tilespmem:s30+$0x11A0];
	v2 =	vadd.f32 v6, v2;
	(pc) =	sbr.rel @p1 .LBB2_12-.Ltmp5, $4  }
0x13a: {  	v11 =	vld [tilespmem:s30+$0x11B0];
	v1 =	vadd.f32 v10, v1  }
0x13b: {  	v7 =	vld [tilespmem:s30+$0x11C0];
	v0 =	vadd.f32 v13, v0  }
0x13c: {  	v8 =	vadd.f32 v14, v8;
	v6 =	vld [tilespmem:s30+$0x11D0]  }
0x13d: {  	v9 =	vadd.f32 v15, v9;
	v10 =	vld [tilespmem:s30+$0x11E0];
	s30 =	sshra.s32 s31, $0x2;
	s31 =	sadd.s32 $0x200, s31  }
0x13e: {  	v13 =	vld [tilespmem:s30+$0x1180]  }
0x13f: {  	v14 =	vld [tilespmem:s30+$0x1190]  }
0x140: {  	v15 =	vld [tilespmem:s30+$0x11A0]  }
0x141: {  	v16 =	vld [tilespmem:s30+$0x11B0]  }
0x142: {  	v17 =	vld [tilespmem:s30+$0x11C0]  }
0x143: {  	v5 =	vadd.f32 v12, v5;
	v60 =	vld [tilespmem:s30+$0x11D0];
	v8 =	vadd.f32 v13, v8  }
0x144: {  	v62 =	vld [tilespmem:s30+$0x11F0];
	v4 =	vadd.f32 v11, v4;
	v9 =	vadd.f32 v14, v9  }
0x145: {  	v61 =	vld [tilespmem:s30+$0x11E0];
	v3 =	vadd.f32 v7, v3;
	v5 =	vadd.f32 v15, v5;
	v8 =	vmul.f32 $6.250000000e-02, v8  }
0x146: {  	v2 =	vadd.f32 v6, v2;
	v4 =	vadd.f32 v16, v4;
	v63 =	vmul.f32 $6.250000000e-02, v9  }
0x147: {  	v3 =	vadd.f32 v17, v3;
	v5 =	vmul.f32 $6.250000000e-02, v5;
	[tilespmem:$0x1900] =	vst v8  }
0x148: {  	v1 =	vadd.f32 v10, v1;
	v2 =	vadd.f32 v60, v2;
	v4 =	vmul.f32 $6.250000000e-02, v4;
	[tilespmem:$0x1910] =	vst v63  }
0x149: {  	v0 =	vadd.f32 v62, v0;
	v3 =	vmul.f32 $6.250000000e-02, v3;
	[tilespmem:$0x1920] =	vst v5  }
0x14a: {  	v1 =	vadd.f32 v61, v1;
	v2 =	vmul.f32 $6.250000000e-02, v2;
	[tilespmem:$0x1930] =	vst v4  }
0x14b: {  	v0 =	vmul.f32 $6.250000000e-02, v0;
	[tilespmem:$0x1940] =	vst v3  }
0x14c: {  	v1 =	vmul.f32 $6.250000000e-02, v1;
	[tilespmem:$0x1950] =	vst v2  }
0x14d: {  	[tilespmem:$0x1970] =	vst v0  }
0x14e: {  	[tilespmem:$0x1960] =	vst v1  }
0x14f: {  	[hbm4b:s16+s4] =	stream.linear.scatter [tilespmem:s24], [sflag:$0x2], $0x80, $0x38;
	[tilespmem:$0x1E00] =	vst v63  }
0x150: {  	_ =	swait.ge [sflag:s20], $0x80  }
0x151: {  	s0 =	simm.s32 @!p0 $0x0;
	[sflag:s20] =	ssyncset.done $0x0  }
0x152: {  	s30 =	simm.s32 @!p0 $0x1980;
	s31 =	simm.s32 @!p0 $0x2;
	[sflag:s20] =	ssyncadd.s32 $0xFFFFFF80  }
0x153: {  	[tilespmem:s30], [sflag:$0x2] =	stream.linear.gather @!p0 [hbm4b:s17+s0], $0x8, $0x38;
	[tilespmem:$0x1E00] =	vst v63  }
0x154: {  	_ =	swait.ge @!p0 [sflag:s31], $0x8  }
0x155: {  	[sflag:s31] =	ssyncset.done @!p0 $0x0  }
0x156: {  	s3 =	simm.s32 @!p0 $0x8;
	s2 =	simm.s32 @!p0 $0x1A00;
	[sflag:s31] =	ssyncadd.s32 @!p0 $0xFFFFFFF8  }
0x157: {  	[tilespmem:s2], [sflag:$0x1] =	stream.indirect.gather @!p0 [hbm4b:s1+s3], $0x80, s30, s3, $0xb8;
	[tilespmem:$0x1E00] =	vst v63  }
0x158: {  	s3 =	simm.s32 @!p0 $0x1  }
0x159: {  	s29 =	sadd.s32 $0x1, s29;
	_ =	swait.ge @!p0 [sflag:s3], $0x400  }
0x15a: {  	p1 =	sne.s32 s29, s19;
	[sflag:s3] =	ssyncset.done @!p0 $0x0  }
.Ltmp6:
0x15b: {  	[sflag:s3] =	ssyncadd.s32 @!p0 $0xFFFFFC00;
	(pc) =	sbr.rel @p1 .LBB2_1-.Ltmp6, $4  }
0x15c: {  	[hbm4b:s18+s0] =	stream.linear.scatter @!p0 [tilespmem:s2], [sflag:$0x2], $0x400, $0x38;
	[tilespmem:$0x1E00] =	vst v63  }
0x15d: {  	_ =	swait.ge @!p0 [sflag:s31], $0x400  }
0x15e: {  	[sflag:s31] =	ssyncset.done @!p0 $0x0  }
0x15f: {  	s2 =	smov.u32 s6;
	[sflag:s31] =	ssyncadd.s32 @!p0 $0xFFFFFC00  }
0x160: {  	_ =	sfence.sel $0x180000  }
0x161: {  	[bflag:$0x0] =	sbarrier.arrive $0xFFFF  }
0x162: {  	_ =	strace $0x90000047  }
0x163: {  	s0 =	stileid.u32;
	[bflag:$0x2] =	sbarrier.arrive $0xFFFF  }
0x164: {  	p0 =	sne.s32 s0, $0x0;
	s0 =	rddreg [dreg:$0x5]  }
0x165: {  	s0 =	sadd.s32 @!p0 $0x100000, s0  }
0x166: {  	[sflag:s0] =	ssyncadd.tile.s32 @!p0 $0x1;
	_ =	shalt  }
.Lfunc_end2:
_tile_overlayer_lowered:
.L_overlay_start_2:
0x167: {  	(tag) =	ssettag $0x2  }
0x168: {  	s0 =	rddreg [dreg:$0x0];
	s2 =	stileid.u32  }
0x169: {  	s1 =	rddreg [dreg:$0x1];
	p0 =	sne.s32 s2, $0x0  }
0x16a: {  	s3 =	rddreg [dreg:$0x2];
	[bflag:$0x3] =	sbarrier.arrive $0xFFFF;
	s2 =	simm.s32 @!p0 $0x1C02  }
0x16b: {  	[timem:s3], [sflag:s2] =	dma.local @!p0 [hbm:s0], s1  }
0x16c: {  	s0 =	simm.s32 @!p0 $0x2  }
0x16d: {  	_ =	swait.ge @!p0 [sflag:s0], s1  }
0x16e: {  	s1 =	ssub.s32 @!p0 $0x0, s1;
	[sflag:s0] =	ssyncset.done @!p0 $0x0  }
0x16f: {  	[sflag:s0] =	ssyncadd.s32 @!p0 s1  }
0x170: {  	[bflag:$0x3] =	sbarrier.arrive $0xFFFF  }
0x171: {  	_ =	shalt  }

</sc_bundles>
